<compile_context>
chip_gen: v7x
topology: tpu7x:2x2x1
jax: 0.10.2.dev20260603
libtpu: 0.0.44.dev20260713+nightly
codegen_flags: <defaults>
</compile_context>

<pallas_src>
import jax
import jax.numpy as jnp
from jax import lax
from jax.experimental import pallas as pl
from jax.experimental.pallas import tpu as pltpu
from jax.experimental.pallas import tpu_sc as plsc

N = 10000
E = 320000
D = 128
NC = 2
NS = 16
NW = NC * NS
EPW = E // NW
K = 80
NCH = EPW // K
NCHT = N // K


def _relu_body(x_ref, h_ref):
    h_ref[...] = jnp.maximum(x_ref[...], 0.0)


def _relu(x):
    bn = 1000
    return pl.pallas_call(
        _relu_body,
        grid=(N // bn,),
        in_specs=[pl.BlockSpec((bn, D), lambda i: (i, 0))],
        out_specs=pl.BlockSpec((bn, D), lambda i: (i, 0)),
        out_shape=jax.ShapeDtypeStruct((N, D), jnp.float32),
    )(x)


def _sc_agg_body(h_hbm, src_hbm, dst_hbm, zeros_hbm, agg_out,
                 acc_sh, s_buf, d_buf, buf0, semg):
    c = lax.axis_index("c")
    s = lax.axis_index("s")
    ebase = (c * NS + s) * EPW

    pltpu.sync_copy(zeros_hbm, buf0)

    for b in range(7):
        pltpu.sync_copy(buf0, acc_sh.at[pl.ds((s + NS * b) * K, K)])
    t = 112 + lax.rem(s, 13)
    pltpu.sync_copy(buf0, acc_sh.at[pl.ds(t * K, K)])

    plsc.subcore_barrier()

    def chunk(ci, carry):
        e0 = ebase + ci * K
        pltpu.sync_copy(src_hbm.at[pl.ds(e0, K)], s_buf)
        pltpu.sync_copy(dst_hbm.at[pl.ds(e0, K)], d_buf)
        pltpu.make_async_copy(h_hbm.at[s_buf], buf0, semg).start()
        pltpu.make_async_copy(h_hbm.at[s_buf], buf0, semg).wait()
        pltpu.sync_copy(buf0, acc_sh.at[d_buf], add=True)
        return carry
    lax.fori_loop(0, NCH, chunk, 0)

    plsc.subcore_barrier()

    for b in range(7):
        ch = s + NS * b
        pltpu.sync_copy(acc_sh.at[pl.ds(ch * K, K)], buf0)
        pltpu.sync_copy(buf0, agg_out.at[c, pl.ds(ch * K, K)])
    t = 112 + lax.rem(s, 13)
    pltpu.sync_copy(acc_sh.at[pl.ds(t * K, K)], buf0)
    pltpu.sync_copy(buf0, agg_out.at[c, pl.ds(t * K, K)])


def _sc_aggregate(h, srcf, dstf, zeroskd):
    mesh = plsc.VectorSubcoreMesh(core_axis_name="c", subcore_axis_name="s")
    f = pl.kernel(
        _sc_agg_body,
        out_type=jax.ShapeDtypeStruct((NC, N, D), jnp.float32),
        mesh=mesh,
        scratch_types=[
            pltpu.VMEM_SHARED((N, D), jnp.float32),
            pltpu.VMEM((K,), jnp.int32),
            pltpu.VMEM((K,), jnp.int32),
            pltpu.VMEM((K, D), jnp.float32),
            pltpu.SemaphoreType.DMA,
        ],
    )
    return f(h, srcf, dstf, zeroskd)


def _sc_cnt_body(dst_hbm, ones_hbm, zeros_hbm, cnt_out,
                 cnt_sh, d_buf, ones_b, cb):
    c = lax.axis_index("c")
    s = lax.axis_index("s")
    ebase = (c * NS + s) * EPW

    pltpu.sync_copy(zeros_hbm, cb)

    for b in range(7):
        pltpu.sync_copy(cb, cnt_sh.at[pl.ds((s + NS * b) * K, K)])
    t = 112 + lax.rem(s, 13)
    pltpu.sync_copy(cb, cnt_sh.at[pl.ds(t * K, K)])

    pltpu.sync_copy(ones_hbm, ones_b)

    plsc.subcore_barrier()

    def chunk(ci, carry):
        e0 = ebase + ci * K
        pltpu.sync_copy(dst_hbm.at[pl.ds(e0, K)], d_buf)
        pltpu.sync_copy(ones_b, cnt_sh.at[d_buf], add=True)
        return carry
    lax.fori_loop(0, NCH, chunk, 0)

    plsc.subcore_barrier()

    for b in range(7):
        ch = s + NS * b
        pltpu.sync_copy(cnt_sh.at[pl.ds(ch * K, K)], cb)
        pltpu.sync_copy(cb, cnt_out.at[c, pl.ds(ch * K, K)])
    t = 112 + lax.rem(s, 13)
    pltpu.sync_copy(cnt_sh.at[pl.ds(t * K, K)], cb)
    pltpu.sync_copy(cb, cnt_out.at[c, pl.ds(t * K, K)])


def _sc_counts(dstf, ones128, zeroskd):
    mesh = plsc.VectorSubcoreMesh(core_axis_name="c", subcore_axis_name="s")
    f = pl.kernel(
        _sc_cnt_body,
        out_type=jax.ShapeDtypeStruct((NC, N, D), jnp.float32),
        mesh=mesh,
        scratch_types=[
            pltpu.VMEM_SHARED((N, D), jnp.float32),
            pltpu.VMEM((K,), jnp.int32),
            pltpu.VMEM((K, D), jnp.float32),
            pltpu.VMEM((K, D), jnp.float32),
        ],
    )
    return f(dstf, ones128, zeroskd)


def _head_body(h_ref, agg_ref, cnt_ref, wl_ref, bl_ref, wr_ref, ws_ref,
               wt_ref, o1_ref, os_ref, ot_ref):
    h = h_ref[...]
    agg = agg_ref[0] + agg_ref[1]
    cnt = cnt_ref[0, :, 0:1] + cnt_ref[1, :, 0:1]
    mean = agg / jnp.maximum(cnt, 1.0)
    o1 = (jnp.dot(mean, wl_ref[...], preferred_element_type=jnp.float32)
          + bl_ref[...]
          + jnp.dot(h, wr_ref[...], preferred_element_type=jnp.float32))
    o1_ref[...] = o1
    zn = o1 / jnp.maximum(
        jnp.sqrt(jnp.sum(o1 * o1, axis=1, keepdims=True)), 1e-12)
    ws = ws_ref[...]
    wsn = ws / jnp.maximum(
        jnp.sqrt(jnp.sum(ws * ws, axis=0, keepdims=True)), 1e-12)
    wt = wt_ref[...]
    wtn = wt / jnp.maximum(
        jnp.sqrt(jnp.sum(wt * wt, axis=0, keepdims=True)), 1e-12)
    os_ref[...] = jnp.dot(zn, wsn, preferred_element_type=jnp.float32)
    ot_ref[...] = jnp.dot(zn, wtn, preferred_element_type=jnp.float32)


def _head(h, agg_parts, cnt_parts, W_l, b_l, W_r, Ws, Wt):
    bn = 400
    s_cls = Ws.shape[1]
    t_cls = Wt.shape[1]
    return pl.pallas_call(
        _head_body,
        grid=(N // bn,),
        in_specs=[
            pl.BlockSpec((bn, D), lambda i: (i, 0)),
            pl.BlockSpec((NC, bn, D), lambda i: (0, i, 0)),
            pl.BlockSpec((NC, bn, D), lambda i: (0, i, 0)),
            pl.BlockSpec((D, D), lambda i: (0, 0)),
            pl.BlockSpec((1, D), lambda i: (0, 0)),
            pl.BlockSpec((D, D), lambda i: (0, 0)),
            pl.BlockSpec((D, s_cls), lambda i: (0, 0)),
            pl.BlockSpec((D, t_cls), lambda i: (0, 0)),
        ],
        out_specs=[
            pl.BlockSpec((bn, D), lambda i: (i, 0)),
            pl.BlockSpec((bn, s_cls), lambda i: (i, 0)),
            pl.BlockSpec((bn, t_cls), lambda i: (i, 0)),
        ],
        out_shape=[
            jax.ShapeDtypeStruct((N, D), jnp.float32),
            jax.ShapeDtypeStruct((N, s_cls), jnp.float32),
            jax.ShapeDtypeStruct((N, t_cls), jnp.float32),
        ],
    )(h, agg_parts, cnt_parts, W_l, b_l, W_r, Ws, Wt)


def kernel(x, edge_index, W_l, b_l, W_r, Ws, Wt):
    h = _relu(x)
    zeroskd = jnp.zeros((K, D), jnp.float32)
    ones128 = jnp.zeros((K, D), jnp.float32).at[:, 0].set(1.0)
    agg_parts = _sc_aggregate(h, edge_index[0], edge_index[1], zeroskd)
    cnt_parts = _sc_counts(edge_index[1], ones128, zeroskd)
    out1, out_s, out_t = _head(h, agg_parts, cnt_parts, W_l,
                               b_l.reshape(1, D), W_r, Ws, Wt)
    return (out1, out_s, out_t)

# --- scband reference (transcript-rebuilt; emitter-appended) ---
"""Pipeline reference for scband-classifier-gcn2-1176821039656 (READ-ONLY COPY).

The authoritative reference and input builder live on the scoring server;
editing this copy changes nothing except your own understanding.
"""

import jax, jax.numpy as jnp
import numpy as np

N = 10000
E = 320000
D = 128
S_CLS = 40
T_CLS = 100


def setup_inputs(seed: int = 0) -> dict:
    key = jax.random.key(seed)
    ks = jax.random.split(key, 8)
    x = jax.random.normal(ks[0], (N, D), dtype=jnp.float32)
    edge_index = jax.random.randint(ks[1], (2, E), 0, N, dtype=jnp.int32)
    # SAGEConv params: lin_l (applied to aggregated neighbors, with bias), lin_r (root, no bias)
    W_l = jax.random.normal(ks[2], (D, D), dtype=jnp.float32) * (1.0 / np.sqrt(D))
    b_l = jnp.zeros((D,), dtype=jnp.float32)
    W_r = jax.random.normal(ks[3], (D, D), dtype=jnp.float32) * (1.0 / np.sqrt(D))
    # NormedLinear weights: uniform(-1, 1)
    Ws = jax.random.uniform(ks[4], (D, S_CLS), dtype=jnp.float32, minval=-1.0, maxval=1.0)
    Wt = jax.random.uniform(ks[5], (D, T_CLS), dtype=jnp.float32, minval=-1.0, maxval=1.0)
    return {"x": x, "edge_index": edge_index, "W_l": W_l, "b_l": b_l, "W_r": W_r, "Ws": Ws, "Wt": Wt}


def _normed_linear(z, W):
    # F.normalize(x, dim=1).mm(F.normalize(W, dim=0)) with eps=1e-12
    zn = z / jnp.clip(jnp.linalg.norm(z, axis=1, keepdims=True), 1e-12)
    Wn = W / jnp.clip(jnp.linalg.norm(W, axis=0, keepdims=True), 1e-12)
    return zn @ Wn


def reference(x, edge_index, W_l, b_l, W_r, Ws, Wt):
    # Classifier_GCN2.forward
    h = jax.nn.relu(x)
    # SAGEConv with mean aggregation: out = lin_l(mean_{j in N(i)} h_j) + lin_r(h_i)
    src = edge_index[0]
    dst = edge_index[1]
    msgs = jnp.take(h, src, axis=0)
    agg = jax.ops.segment_sum(msgs, dst, num_segments=N)
    cnt = jax.ops.segment_sum(jnp.ones((E,), dtype=h.dtype), dst, num_segments=N)
    mean = agg / jnp.clip(cnt, 1.0)[:, None]
    out1 = mean @ W_l + b_l + h @ W_r
    out_s = _normed_linear(out1, Ws)
    out_t = _normed_linear(out1, Wt)
    return (out1, out_s, out_t)

if __name__ == "__main__":
    import jax
    _d = setup_inputs()
    print(jax.jit(kernel)(*tuple(_d.values())))

</pallas_src>

<mosaic_0001>
#map = affine_map<(d0, d1) -> (0, 0)>
#map1 = affine_map<(d0, d1) -> (0)>
#map2 = affine_map<(d0, d1) -> (0, 0, 0)>
module attributes {stable_mosaic.version = 14 : i64} {
  func.func @_sc_agg_body(%arg0: i32, %arg1: i32, %arg2: memref<10000x128xf32, #tpu.memory_space<hbm>>, %arg3: memref<320000xi32, #tpu.memory_space<hbm>>, %arg4: memref<320000xi32, #tpu.memory_space<hbm>>, %arg5: memref<80x128xf32, #tpu.memory_space<hbm>>, %arg6: memref<2x10000x128xf32, #tpu.memory_space<hbm>>, %arg7: memref<10000x128xf32, #tpu.memory_space<vmem_shared>>, %arg8: memref<80xi32, #tpu.memory_space<vmem>>, %arg9: memref<80xi32, #tpu.memory_space<vmem>>, %arg10: memref<80x128xf32, #tpu.memory_space<vmem>>, %arg11: memref<!tpu.dma_semaphore, #tpu.memory_space<semaphore_mem>>) attributes {dimension_semantics = [#tpu.dimension_semantics<core_parallel>, #tpu.dimension_semantics<subcore_parallel>], iteration_bounds = array<i64: 2, 16>, scalar_prefetch = 0 : i64, scratch_operands = 5 : i64, tpu.core_type = #tpu.core_type<sc_vector_subcore>, window_params = [{transform_indices = #map}, {transform_indices = #map1}, {transform_indices = #map1}, {transform_indices = #map}, {transform_indices = #map2}]} {
    %mul3A = arith.constant 16 : i32
    %mul3A_0 = arith.muli %arg0, %mul3A : i32
    %add3A = arith.addi %mul3A_0, %arg1 : i32
    %mul3A_1 = arith.constant 10000 : i32
    %mul3A_2 = arith.muli %add3A, %mul3A_1 : i32
    "tpu.region"() ({
      %run_scoped3A = tpu.sem_alloc : memref<!tpu.dma_semaphore, #tpu.memory_space<semaphore_mem>>
      tpu.enqueue_dma source(%arg5 : memref<80x128xf32, #tpu.memory_space<hbm>>) target(%arg10 : memref<80x128xf32, #tpu.memory_space<vmem>>) target_semaphore(%run_scoped3A : memref<!tpu.dma_semaphore, #tpu.memory_space<semaphore_mem>>)
      tpu.wait_dma2 semaphore(%run_scoped3A : memref<!tpu.dma_semaphore, #tpu.memory_space<semaphore_mem>>) src(%arg5 : memref<80x128xf32, #tpu.memory_space<hbm>>) dst(%arg10 : memref<80x128xf32, #tpu.memory_space<vmem>>)
      tpu.yield
    }) : () -> ()
    %add3A_3 = arith.constant 0 : i32
    %add3A_4 = arith.addi %arg1, %add3A_3 : i32
    %mul3A_5 = arith.constant 80 : i32
    %mul3A_6 = arith.muli %add3A_4, %mul3A_5 : i32
    "tpu.region"() ({
      %run_scoped3A = tpu.sem_alloc : memref<!tpu.dma_semaphore, #tpu.memory_space<semaphore_mem>>
      %dma_start3A = arith.constant 0 : i32
      %dma_start3A_92 = tpu.memref_slice %arg7[%mul3A_6, %dma_start3A] : memref<10000x128xf32, #tpu.memory_space<vmem_shared>> -> memref<80x128xf32, #tpu.memory_space<vmem_shared>>
      %dma_start3A_93 = arith.constant 0 : i32
      %dma_start3A_94 = tpu.memref_slice %arg7[%mul3A_6, %dma_start3A_93] : memref<10000x128xf32, #tpu.memory_space<vmem_shared>> -> memref<80x128xf32, #tpu.memory_space<vmem_shared>>
      tpu.enqueue_dma source(%arg10 : memref<80x128xf32, #tpu.memory_space<vmem>>) target(%dma_start3A_94 : memref<80x128xf32, #tpu.memory_space<vmem_shared>>) target_semaphore(%run_scoped3A : memref<!tpu.dma_semaphore, #tpu.memory_space<semaphore_mem>>)
      %dma_wait3A = arith.constant 0 : i32
      %dma_wait3A_95 = tpu.memref_slice %arg7[%mul3A_6, %dma_wait3A] : memref<10000x128xf32, #tpu.memory_space<vmem_shared>> -> memref<80x128xf32, #tpu.memory_space<vmem_shared>>
      %dma_wait3A_96 = arith.constant 0 : i32
      %dma_wait3A_97 = tpu.memref_slice %arg7[%mul3A_6, %dma_wait3A_96] : memref<10000x128xf32, #tpu.memory_space<vmem_shared>> -> memref<80x128xf32, #tpu.memory_space<vmem_shared>>
      tpu.wait_dma2 semaphore(%run_scoped3A : memref<!tpu.dma_semaphore, #tpu.memory_space<semaphore_mem>>) src(%arg10 : memref<80x128xf32, #tpu.memory_space<vmem>>) dst(%dma_wait3A_97 : memref<80x128xf32, #tpu.memory_space<vmem_shared>>)
      tpu.yield
    }) : () -> ()
    %add3A_7 = arith.constant 16 : i32
    %add3A_8 = arith.addi %arg1, %add3A_7 : i32
    %mul3A_9 = arith.constant 80 : i32
    %mul3A_10 = arith.muli %add3A_8, %mul3A_9 : i32
    "tpu.region"() ({
      %run_scoped3A = tpu.sem_alloc : memref<!tpu.dma_semaphore, #tpu.memory_space<semaphore_mem>>
      %dma_start3A = arith.constant 0 : i32
      %dma_start3A_92 = tpu.memref_slice %arg7[%mul3A_10, %dma_start3A] : memref<10000x128xf32, #tpu.memory_space<vmem_shared>> -> memref<80x128xf32, #tpu.memory_space<vmem_shared>>
      %dma_start3A_93 = arith.constant 0 : i32
      %dma_start3A_94 = tpu.memref_slice %arg7[%mul3A_10, %dma_start3A_93] : memref<10000x128xf32, #tpu.memory_space<vmem_shared>> -> memref<80x128xf32, #tpu.memory_space<vmem_shared>>
      tpu.enqueue_dma source(%arg10 : memref<80x128xf32, #tpu.memory_space<vmem>>) target(%dma_start3A_94 : memref<80x128xf32, #tpu.memory_space<vmem_shared>>) target_semaphore(%run_scoped3A : memref<!tpu.dma_semaphore, #tpu.memory_space<semaphore_mem>>)
      %dma_wait3A = arith.constant 0 : i32
      %dma_wait3A_95 = tpu.memref_slice %arg7[%mul3A_10, %dma_wait3A] : memref<10000x128xf32, #tpu.memory_space<vmem_shared>> -> memref<80x128xf32, #tpu.memory_space<vmem_shared>>
      %dma_wait3A_96 = arith.constant 0 : i32
      %dma_wait3A_97 = tpu.memref_slice %arg7[%mul3A_10, %dma_wait3A_96] : memref<10000x128xf32, #tpu.memory_space<vmem_shared>> -> memref<80x128xf32, #tpu.memory_space<vmem_shared>>
      tpu.wait_dma2 semaphore(%run_scoped3A : memref<!tpu.dma_semaphore, #tpu.memory_space<semaphore_mem>>) src(%arg10 : memref<80x128xf32, #tpu.memory_space<vmem>>) dst(%dma_wait3A_97 : memref<80x128xf32, #tpu.memory_space<vmem_shared>>)
      tpu.yield
    }) : () -> ()
    %add3A_11 = arith.constant 32 : i32
    %add3A_12 = arith.addi %arg1, %add3A_11 : i32
    %mul3A_13 = arith.constant 80 : i32
    %mul3A_14 = arith.muli %add3A_12, %mul3A_13 : i32
    "tpu.region"() ({
      %run_scoped3A = tpu.sem_alloc : memref<!tpu.dma_semaphore, #tpu.memory_space<semaphore_mem>>
      %dma_start3A = arith.constant 0 : i32
      %dma_start3A_92 = tpu.memref_slice %arg7[%mul3A_14, %dma_start3A] : memref<10000x128xf32, #tpu.memory_space<vmem_shared>> -> memref<80x128xf32, #tpu.memory_space<vmem_shared>>
      %dma_start3A_93 = arith.constant 0 : i32
      %dma_start3A_94 = tpu.memref_slice %arg7[%mul3A_14, %dma_start3A_93] : memref<10000x128xf32, #tpu.memory_space<vmem_shared>> -> memref<80x128xf32, #tpu.memory_space<vmem_shared>>
      tpu.enqueue_dma source(%arg10 : memref<80x128xf32, #tpu.memory_space<vmem>>) target(%dma_start3A_94 : memref<80x128xf32, #tpu.memory_space<vmem_shared>>) target_semaphore(%run_scoped3A : memref<!tpu.dma_semaphore, #tpu.memory_space<semaphore_mem>>)
      %dma_wait3A = arith.constant 0 : i32
      %dma_wait3A_95 = tpu.memref_slice %arg7[%mul3A_14, %dma_wait3A] : memref<10000x128xf32, #tpu.memory_space<vmem_shared>> -> memref<80x128xf32, #tpu.memory_space<vmem_shared>>
      %dma_wait3A_96 = arith.constant 0 : i32
      %dma_wait3A_97 = tpu.memref_slice %arg7[%mul3A_14, %dma_wait3A_96] : memref<10000x128xf32, #tpu.memory_space<vmem_shared>> -> memref<80x128xf32, #tpu.memory_space<vmem_shared>>
      tpu.wait_dma2 semaphore(%run_scoped3A : memref<!tpu.dma_semaphore, #tpu.memory_space<semaphore_mem>>) src(%arg10 : memref<80x128xf32, #tpu.memory_space<vmem>>) dst(%dma_wait3A_97 : memref<80x128xf32, #tpu.memory_space<vmem_shared>>)
      tpu.yield
    }) : () -> ()
    %add3A_15 = arith.constant 48 : i32
    %add3A_16 = arith.addi %arg1, %add3A_15 : i32
    %mul3A_17 = arith.constant 80 : i32
    %mul3A_18 = arith.muli %add3A_16, %mul3A_17 : i32
    "tpu.region"() ({
      %run_scoped3A = tpu.sem_alloc : memref<!tpu.dma_semaphore, #tpu.memory_space<semaphore_mem>>
      %dma_start3A = arith.constant 0 : i32
      %dma_start3A_92 = tpu.memref_slice %arg7[%mul3A_18, %dma_start3A] : memref<10000x128xf32, #tpu.memory_space<vmem_shared>> -> memref<80x128xf32, #tpu.memory_space<vmem_shared>>
      %dma_start3A_93 = arith.constant 0 : i32
      %dma_start3A_94 = tpu.memref_slice %arg7[%mul3A_18, %dma_start3A_93] : memref<10000x128xf32, #tpu.memory_space<vmem_shared>> -> memref<80x128xf32, #tpu.memory_space<vmem_shared>>
      tpu.enqueue_dma source(%arg10 : memref<80x128xf32, #tpu.memory_space<vmem>>) target(%dma_start3A_94 : memref<80x128xf32, #tpu.memory_space<vmem_shared>>) target_semaphore(%run_scoped3A : memref<!tpu.dma_semaphore, #tpu.memory_space<semaphore_mem>>)
      %dma_wait3A = arith.constant 0 : i32
      %dma_wait3A_95 = tpu.memref_slice %arg7[%mul3A_18, %dma_wait3A] : memref<10000x128xf32, #tpu.memory_space<vmem_shared>> -> memref<80x128xf32, #tpu.memory_space<vmem_shared>>
      %dma_wait3A_96 = arith.constant 0 : i32
      %dma_wait3A_97 = tpu.memref_slice %arg7[%mul3A_18, %dma_wait3A_96] : memref<10000x128xf32, #tpu.memory_space<vmem_shared>> -> memref<80x128xf32, #tpu.memory_space<vmem_shared>>
      tpu.wait_dma2 semaphore(%run_scoped3A : memref<!tpu.dma_semaphore, #tpu.memory_space<semaphore_mem>>) src(%arg10 : memref<80x128xf32, #tpu.memory_space<vmem>>) dst(%dma_wait3A_97 : memref<80x128xf32, #tpu.memory_space<vmem_shared>>)
      tpu.yield
    }) : () -> ()
    %add3A_19 = arith.constant 64 : i32
    %add3A_20 = arith.addi %arg1, %add3A_19 : i32
    %mul3A_21 = arith.constant 80 : i32
    %mul3A_22 = arith.muli %add3A_20, %mul3A_21 : i32
    "tpu.region"() ({
      %run_scoped3A = tpu.sem_alloc : memref<!tpu.dma_semaphore, #tpu.memory_space<semaphore_mem>>
      %dma_start3A = arith.constant 0 : i32
      %dma_start3A_92 = tpu.memref_slice %arg7[%mul3A_22, %dma_start3A] : memref<10000x128xf32, #tpu.memory_space<vmem_shared>> -> memref<80x128xf32, #tpu.memory_space<vmem_shared>>
      %dma_start3A_93 = arith.constant 0 : i32
      %dma_start3A_94 = tpu.memref_slice %arg7[%mul3A_22, %dma_start3A_93] : memref<10000x128xf32, #tpu.memory_space<vmem_shared>> -> memref<80x128xf32, #tpu.memory_space<vmem_shared>>
      tpu.enqueue_dma source(%arg10 : memref<80x128xf32, #tpu.memory_space<vmem>>) target(%dma_start3A_94 : memref<80x128xf32, #tpu.memory_space<vmem_shared>>) target_semaphore(%run_scoped3A : memref<!tpu.dma_semaphore, #tpu.memory_space<semaphore_mem>>)
      %dma_wait3A = arith.constant 0 : i32
      %dma_wait3A_95 = tpu.memref_slice %arg7[%mul3A_22, %dma_wait3A] : memref<10000x128xf32, #tpu.memory_space<vmem_shared>> -> memref<80x128xf32, #tpu.memory_space<vmem_shared>>
      %dma_wait3A_96 = arith.constant 0 : i32
      %dma_wait3A_97 = tpu.memref_slice %arg7[%mul3A_22, %dma_wait3A_96] : memref<10000x128xf32, #tpu.memory_space<vmem_shared>> -> memref<80x128xf32, #tpu.memory_space<vmem_shared>>
      tpu.wait_dma2 semaphore(%run_scoped3A : memref<!tpu.dma_semaphore, #tpu.memory_space<semaphore_mem>>) src(%arg10 : memref<80x128xf32, #tpu.memory_space<vmem>>) dst(%dma_wait3A_97 : memref<80x128xf32, #tpu.memory_space<vmem_shared>>)
      tpu.yield
    }) : () -> ()
    %add3A_23 = arith.constant 80 : i32
    %add3A_24 = arith.addi %arg1, %add3A_23 : i32
    %mul3A_25 = arith.constant 80 : i32
    %mul3A_26 = arith.muli %add3A_24, %mul3A_25 : i32
    "tpu.region"() ({
      %run_scoped3A = tpu.sem_alloc : memref<!tpu.dma_semaphore, #tpu.memory_space<semaphore_mem>>
      %dma_start3A = arith.constant 0 : i32
      %dma_start3A_92 = tpu.memref_slice %arg7[%mul3A_26, %dma_start3A] : memref<10000x128xf32, #tpu.memory_space<vmem_shared>> -> memref<80x128xf32, #tpu.memory_space<vmem_shared>>
      %dma_start3A_93 = arith.constant 0 : i32
      %dma_start3A_94 = tpu.memref_slice %arg7[%mul3A_26, %dma_start3A_93] : memref<10000x128xf32, #tpu.memory_space<vmem_shared>> -> memref<80x128xf32, #tpu.memory_space<vmem_shared>>
      tpu.enqueue_dma source(%arg10 : memref<80x128xf32, #tpu.memory_space<vmem>>) target(%dma_start3A_94 : memref<80x128xf32, #tpu.memory_space<vmem_shared>>) target_semaphore(%run_scoped3A : memref<!tpu.dma_semaphore, #tpu.memory_space<semaphore_mem>>)
      %dma_wait3A = arith.constant 0 : i32
      %dma_wait3A_95 = tpu.memref_slice %arg7[%mul3A_26, %dma_wait3A] : memref<10000x128xf32, #tpu.memory_space<vmem_shared>> -> memref<80x128xf32, #tpu.memory_space<vmem_shared>>
      %dma_wait3A_96 = arith.constant 0 : i32
      %dma_wait3A_97 = tpu.memref_slice %arg7[%mul3A_26, %dma_wait3A_96] : memref<10000x128xf32, #tpu.memory_space<vmem_shared>> -> memref<80x128xf32, #tpu.memory_space<vmem_shared>>
      tpu.wait_dma2 semaphore(%run_scoped3A : memref<!tpu.dma_semaphore, #tpu.memory_space<semaphore_mem>>) src(%arg10 : memref<80x128xf32, #tpu.memory_space<vmem>>) dst(%dma_wait3A_97 : memref<80x128xf32, #tpu.memory_space<vmem_shared>>)
      tpu.yield
    }) : () -> ()
    %add3A_27 = arith.constant 96 : i32
    %add3A_28 = arith.addi %arg1, %add3A_27 : i32
    %mul3A_29 = arith.constant 80 : i32
    %mul3A_30 = arith.muli %add3A_28, %mul3A_29 : i32
    "tpu.region"() ({
      %run_scoped3A = tpu.sem_alloc : memref<!tpu.dma_semaphore, #tpu.memory_space<semaphore_mem>>
      %dma_start3A = arith.constant 0 : i32
      %dma_start3A_92 = tpu.memref_slice %arg7[%mul3A_30, %dma_start3A] : memref<10000x128xf32, #tpu.memory_space<vmem_shared>> -> memref<80x128xf32, #tpu.memory_space<vmem_shared>>
      %dma_start3A_93 = arith.constant 0 : i32
      %dma_start3A_94 = tpu.memref_slice %arg7[%mul3A_30, %dma_start3A_93] : memref<10000x128xf32, #tpu.memory_space<vmem_shared>> -> memref<80x128xf32, #tpu.memory_space<vmem_shared>>
      tpu.enqueue_dma source(%arg10 : memref<80x128xf32, #tpu.memory_space<vmem>>) target(%dma_start3A_94 : memref<80x128xf32, #tpu.memory_space<vmem_shared>>) target_semaphore(%run_scoped3A : memref<!tpu.dma_semaphore, #tpu.memory_space<semaphore_mem>>)
      %dma_wait3A = arith.constant 0 : i32
      %dma_wait3A_95 = tpu.memref_slice %arg7[%mul3A_30, %dma_wait3A] : memref<10000x128xf32, #tpu.memory_space<vmem_shared>> -> memref<80x128xf32, #tpu.memory_space<vmem_shared>>
      %dma_wait3A_96 = arith.constant 0 : i32
      %dma_wait3A_97 = tpu.memref_slice %arg7[%mul3A_30, %dma_wait3A_96] : memref<10000x128xf32, #tpu.memory_space<vmem_shared>> -> memref<80x128xf32, #tpu.memory_space<vmem_shared>>
      tpu.wait_dma2 semaphore(%run_scoped3A : memref<!tpu.dma_semaphore, #tpu.memory_space<semaphore_mem>>) src(%arg10 : memref<80x128xf32, #tpu.memory_space<vmem>>) dst(%dma_wait3A_97 : memref<80x128xf32, #tpu.memory_space<vmem_shared>>)
      tpu.yield
    }) : () -> ()
    %rem3A = arith.constant 13 : i32
    %rem3A_31 = arith.remsi %arg1, %rem3A : i32
    %add3A_32 = arith.constant 112 : i32
    %add3A_33 = arith.addi %add3A_32, %rem3A_31 : i32
    %mul3A_34 = arith.constant 80 : i32
    %mul3A_35 = arith.muli %add3A_33, %mul3A_34 : i32
    "tpu.region"() ({
      %run_scoped3A = tpu.sem_alloc : memref<!tpu.dma_semaphore, #tpu.memory_space<semaphore_mem>>
      %dma_start3A = arith.constant 0 : i32
      %dma_start3A_92 = tpu.memref_slice %arg7[%mul3A_35, %dma_start3A] : memref<10000x128xf32, #tpu.memory_space<vmem_shared>> -> memref<80x128xf32, #tpu.memory_space<vmem_shared>>
      %dma_start3A_93 = arith.constant 0 : i32
      %dma_start3A_94 = tpu.memref_slice %arg7[%mul3A_35, %dma_start3A_93] : memref<10000x128xf32, #tpu.memory_space<vmem_shared>> -> memref<80x128xf32, #tpu.memory_space<vmem_shared>>
      tpu.enqueue_dma source(%arg10 : memref<80x128xf32, #tpu.memory_space<vmem>>) target(%dma_start3A_94 : memref<80x128xf32, #tpu.memory_space<vmem_shared>>) target_semaphore(%run_scoped3A : memref<!tpu.dma_semaphore, #tpu.memory_space<semaphore_mem>>)
      %dma_wait3A = arith.constant 0 : i32
      %dma_wait3A_95 = tpu.memref_slice %arg7[%mul3A_35, %dma_wait3A] : memref<10000x128xf32, #tpu.memory_space<vmem_shared>> -> memref<80x128xf32, #tpu.memory_space<vmem_shared>>
      %dma_wait3A_96 = arith.constant 0 : i32
      %dma_wait3A_97 = tpu.memref_slice %arg7[%mul3A_35, %dma_wait3A_96] : memref<10000x128xf32, #tpu.memory_space<vmem_shared>> -> memref<80x128xf32, #tpu.memory_space<vmem_shared>>
      tpu.wait_dma2 semaphore(%run_scoped3A : memref<!tpu.dma_semaphore, #tpu.memory_space<semaphore_mem>>) src(%arg10 : memref<80x128xf32, #tpu.memory_space<vmem>>) dst(%dma_wait3A_97 : memref<80x128xf32, #tpu.memory_space<vmem_shared>>)
      tpu.yield
    }) : () -> ()
    %barrier3A = arith.constant 0 : index
    tpu.barrier barrier_id(%barrier3A)
    %scan3A = arith.constant 0 : i32
    %scan3A_36 = arith.constant 0 : i32
    %scan3A_37 = arith.constant 125 : i32
    %scan3A_38 = arith.addi %scan3A_36, %scan3A_37 : i32
    %scan3A_39 = arith.constant 1 : i32
    scf.for %scan3A_92 = %scan3A_36 to %scan3A_38 step %scan3A_39  : i32 {
      %mul3A_93 = arith.constant 80 : i32
      %mul3A_94 = arith.muli %scan3A_92, %mul3A_93 : i32
      %add3A_95 = arith.addi %mul3A_2, %mul3A_94 : i32
      "tpu.region"() ({
        %run_scoped3A = tpu.sem_alloc : memref<!tpu.dma_semaphore, #tpu.memory_space<semaphore_mem>>
        %dma_start3A_100 = tpu.memref_slice %arg3[%add3A_95] : memref<320000xi32, #tpu.memory_space<hbm>> -> memref<80xi32, #tpu.memory_space<hbm>>
        %dma_start3A_101 = tpu.memref_slice %arg3[%add3A_95] : memref<320000xi32, #tpu.memory_space<hbm>> -> memref<80xi32, #tpu.memory_space<hbm>>
        tpu.enqueue_dma source(%dma_start3A_101 : memref<80xi32, #tpu.memory_space<hbm>>) target(%arg8 : memref<80xi32, #tpu.memory_space<vmem>>) target_semaphore(%run_scoped3A : memref<!tpu.dma_semaphore, #tpu.memory_space<semaphore_mem>>)
        %dma_wait3A_102 = tpu.memref_slice %arg3[%add3A_95] : memref<320000xi32, #tpu.memory_space<hbm>> -> memref<80xi32, #tpu.memory_space<hbm>>
        %dma_wait3A_103 = tpu.memref_slice %arg3[%add3A_95] : memref<320000xi32, #tpu.memory_space<hbm>> -> memref<80xi32, #tpu.memory_space<hbm>>
        tpu.wait_dma2 semaphore(%run_scoped3A : memref<!tpu.dma_semaphore, #tpu.memory_space<semaphore_mem>>) src(%dma_wait3A_103 : memref<80xi32, #tpu.memory_space<hbm>>) dst(%arg8 : memref<80xi32, #tpu.memory_space<vmem>>)
        tpu.yield
      }) : () -> ()
      "tpu.region"() ({
        %run_scoped3A = tpu.sem_alloc : memref<!tpu.dma_semaphore, #tpu.memory_space<semaphore_mem>>
        %dma_start3A_100 = tpu.memref_slice %arg4[%add3A_95] : memref<320000xi32, #tpu.memory_space<hbm>> -> memref<80xi32, #tpu.memory_space<hbm>>
        %dma_start3A_101 = tpu.memref_slice %arg4[%add3A_95] : memref<320000xi32, #tpu.memory_space<hbm>> -> memref<80xi32, #tpu.memory_space<hbm>>
        tpu.enqueue_dma source(%dma_start3A_101 : memref<80xi32, #tpu.memory_space<hbm>>) target(%arg9 : memref<80xi32, #tpu.memory_space<vmem>>) target_semaphore(%run_scoped3A : memref<!tpu.dma_semaphore, #tpu.memory_space<semaphore_mem>>)
        %dma_wait3A_102 = tpu.memref_slice %arg4[%add3A_95] : memref<320000xi32, #tpu.memory_space<hbm>> -> memref<80xi32, #tpu.memory_space<hbm>>
        %dma_wait3A_103 = tpu.memref_slice %arg4[%add3A_95] : memref<320000xi32, #tpu.memory_space<hbm>> -> memref<80xi32, #tpu.memory_space<hbm>>
        tpu.wait_dma2 semaphore(%run_scoped3A : memref<!tpu.dma_semaphore, #tpu.memory_space<semaphore_mem>>) src(%dma_wait3A_103 : memref<80xi32, #tpu.memory_space<hbm>>) dst(%arg9 : memref<80xi32, #tpu.memory_space<vmem>>)
        tpu.yield
      }) : () -> ()
      %dma_start3A = arith.constant 0 : i32
      %dma_start3A_96 = arith.constant 0 : i32
      %dma_start3A_97 = tpu.memref_slice %arg2[%dma_start3A, %dma_start3A_96] : memref<10000x128xf32, #tpu.memory_space<hbm>> -> memref<10000x128xf32, #tpu.memory_space<hbm>>
      tpu.enqueue_indirect_dma source(%dma_start3A_97 : memref<10000x128xf32, #tpu.memory_space<hbm>>) target(%arg10 : memref<80x128xf32, #tpu.memory_space<vmem>>) offsets(%arg8 : memref<80xi32, #tpu.memory_space<vmem>>) semaphore(%arg11 : memref<!tpu.dma_semaphore, #tpu.memory_space<semaphore_mem>>)
      %dma_wait3A = arith.constant 0 : i32
      %dma_wait3A_98 = arith.constant 0 : i32
      %dma_wait3A_99 = tpu.memref_slice %arg2[%dma_wait3A, %dma_wait3A_98] : memref<10000x128xf32, #tpu.memory_space<hbm>> -> memref<10000x128xf32, #tpu.memory_space<hbm>>
      tpu.wait_indirect_dma semaphore(%arg11 : memref<!tpu.dma_semaphore, #tpu.memory_space<semaphore_mem>>) src(%dma_wait3A_99 : memref<10000x128xf32, #tpu.memory_space<hbm>>) dst(%arg10 : memref<80x128xf32, #tpu.memory_space<vmem>>)
      "tpu.region"() ({
        %run_scoped3A = tpu.sem_alloc : memref<!tpu.dma_semaphore, #tpu.memory_space<semaphore_mem>>
        %dma_start3A_100 = arith.constant 0 : i32
        %dma_start3A_101 = arith.constant 0 : i32
        %dma_start3A_102 = tpu.memref_slice %arg7[%dma_start3A_100, %dma_start3A_101] : memref<10000x128xf32, #tpu.memory_space<vmem_shared>> -> memref<10000x128xf32, #tpu.memory_space<vmem_shared>>
        tpu.enqueue_indirect_dma source(%arg10 : memref<80x128xf32, #tpu.memory_space<vmem>>) target(%dma_start3A_102 : memref<10000x128xf32, #tpu.memory_space<vmem_shared>>) offsets(%arg9 : memref<80xi32, #tpu.memory_space<vmem>>) semaphore(%run_scoped3A : memref<!tpu.dma_semaphore, #tpu.memory_space<semaphore_mem>>) {add = true}
        %dma_wait3A_103 = arith.constant 0 : i32
        %dma_wait3A_104 = arith.constant 0 : i32
        %dma_wait3A_105 = tpu.memref_slice %arg7[%dma_wait3A_103, %dma_wait3A_104] : memref<10000x128xf32, #tpu.memory_space<vmem_shared>> -> memref<10000x128xf32, #tpu.memory_space<vmem_shared>>
        tpu.wait_indirect_dma semaphore(%run_scoped3A : memref<!tpu.dma_semaphore, #tpu.memory_space<semaphore_mem>>) src(%arg10 : memref<80x128xf32, #tpu.memory_space<vmem>>) dst(%dma_wait3A_105 : memref<10000x128xf32, #tpu.memory_space<vmem_shared>>)
        tpu.yield
      }) : () -> ()
    }
    %scan3A_40 = arith.constant 125 : i32
    %barrier3A_41 = arith.constant 0 : index
    tpu.barrier barrier_id(%barrier3A_41)
    %add3A_42 = arith.constant 0 : i32
    %add3A_43 = arith.addi %arg1, %add3A_42 : i32
    %mul3A_44 = arith.constant 80 : i32
    %mul3A_45 = arith.muli %add3A_43, %mul3A_44 : i32
    "tpu.region"() ({
      %run_scoped3A = tpu.sem_alloc : memref<!tpu.dma_semaphore, #tpu.memory_space<semaphore_mem>>
      %dma_start3A = arith.constant 0 : i32
      %dma_start3A_92 = tpu.memref_slice %arg7[%mul3A_45, %dma_start3A] : memref<10000x128xf32, #tpu.memory_space<vmem_shared>> -> memref<80x128xf32, #tpu.memory_space<vmem_shared>>
      %dma_start3A_93 = arith.constant 0 : i32
      %dma_start3A_94 = tpu.memref_slice %arg7[%mul3A_45, %dma_start3A_93] : memref<10000x128xf32, #tpu.memory_space<vmem_shared>> -> memref<80x128xf32, #tpu.memory_space<vmem_shared>>
      tpu.enqueue_dma source(%dma_start3A_94 : memref<80x128xf32, #tpu.memory_space<vmem_shared>>) target(%arg10 : memref<80x128xf32, #tpu.memory_space<vmem>>) target_semaphore(%run_scoped3A : memref<!tpu.dma_semaphore, #tpu.memory_space<semaphore_mem>>)
      %dma_wait3A = arith.constant 0 : i32
      %dma_wait3A_95 = tpu.memref_slice %arg7[%mul3A_45, %dma_wait3A] : memref<10000x128xf32, #tpu.memory_space<vmem_shared>> -> memref<80x128xf32, #tpu.memory_space<vmem_shared>>
      %dma_wait3A_96 = arith.constant 0 : i32
      %dma_wait3A_97 = tpu.memref_slice %arg7[%mul3A_45, %dma_wait3A_96] : memref<10000x128xf32, #tpu.memory_space<vmem_shared>> -> memref<80x128xf32, #tpu.memory_space<vmem_shared>>
      tpu.wait_dma2 semaphore(%run_scoped3A : memref<!tpu.dma_semaphore, #tpu.memory_space<semaphore_mem>>) src(%dma_wait3A_97 : memref<80x128xf32, #tpu.memory_space<vmem_shared>>) dst(%arg10 : memref<80x128xf32, #tpu.memory_space<vmem>>)
      tpu.yield
    }) : () -> ()
    %mul3A_46 = arith.constant 80 : i32
    %mul3A_47 = arith.muli %add3A_43, %mul3A_46 : i32
    "tpu.region"() ({
      %run_scoped3A = tpu.sem_alloc : memref<!tpu.dma_semaphore, #tpu.memory_space<semaphore_mem>>
      %dma_start3A = arith.constant 0 : i32
      %dma_start3A_92 = tpu.memref_slice %arg6[%arg0, %mul3A_47, %dma_start3A] : memref<2x10000x128xf32, #tpu.memory_space<hbm>> -> memref<1x80x128xf32, #tpu.memory_space<hbm>>
      %dma_start3A_93 = tpu.memref_squeeze %dma_start3A_92 : memref<1x80x128xf32, #tpu.memory_space<hbm>> -> memref<80x128xf32, #tpu.memory_space<hbm>>
      %dma_start3A_94 = arith.constant 0 : i32
      %dma_start3A_95 = tpu.memref_slice %arg6[%arg0, %mul3A_47, %dma_start3A_94] : memref<2x10000x128xf32, #tpu.memory_space<hbm>> -> memref<1x80x128xf32, #tpu.memory_space<hbm>>
      %dma_start3A_96 = tpu.memref_squeeze %dma_start3A_95 : memref<1x80x128xf32, #tpu.memory_space<hbm>> -> memref<80x128xf32, #tpu.memory_space<hbm>>
      tpu.enqueue_dma source(%arg10 : memref<80x128xf32, #tpu.memory_space<vmem>>) target(%dma_start3A_96 : memref<80x128xf32, #tpu.memory_space<hbm>>) target_semaphore(%run_scoped3A : memref<!tpu.dma_semaphore, #tpu.memory_space<semaphore_mem>>)
      %dma_wait3A = arith.constant 0 : i32
      %dma_wait3A_97 = tpu.memref_slice %arg6[%arg0, %mul3A_47, %dma_wait3A] : memref<2x10000x128xf32, #tpu.memory_space<hbm>> -> memref<1x80x128xf32, #tpu.memory_space<hbm>>
      %dma_wait3A_98 = tpu.memref_squeeze %dma_wait3A_97 : memref<1x80x128xf32, #tpu.memory_space<hbm>> -> memref<80x128xf32, #tpu.memory_space<hbm>>
      %dma_wait3A_99 = arith.constant 0 : i32
      %dma_wait3A_100 = tpu.memref_slice %arg6[%arg0, %mul3A_47, %dma_wait3A_99] : memref<2x10000x128xf32, #tpu.memory_space<hbm>> -> memref<1x80x128xf32, #tpu.memory_space<hbm>>
      %dma_wait3A_101 = tpu.memref_squeeze %dma_wait3A_100 : memref<1x80x128xf32, #tpu.memory_space<hbm>> -> memref<80x128xf32, #tpu.memory_space<hbm>>
      tpu.wait_dma2 semaphore(%run_scoped3A : memref<!tpu.dma_semaphore, #tpu.memory_space<semaphore_mem>>) src(%arg10 : memref<80x128xf32, #tpu.memory_space<vmem>>) dst(%dma_wait3A_101 : memref<80x128xf32, #tpu.memory_space<hbm>>)
      tpu.yield
    }) : () -> ()
    %add3A_48 = arith.constant 16 : i32
    %add3A_49 = arith.addi %arg1, %add3A_48 : i32
    %mul3A_50 = arith.constant 80 : i32
    %mul3A_51 = arith.muli %add3A_49, %mul3A_50 : i32
    "tpu.region"() ({
      %run_scoped3A = tpu.sem_alloc : memref<!tpu.dma_semaphore, #tpu.memory_space<semaphore_mem>>
      %dma_start3A = arith.constant 0 : i32
      %dma_start3A_92 = tpu.memref_slice %arg7[%mul3A_51, %dma_start3A] : memref<10000x128xf32, #tpu.memory_space<vmem_shared>> -> memref<80x128xf32, #tpu.memory_space<vmem_shared>>
      %dma_start3A_93 = arith.constant 0 : i32
      %dma_start3A_94 = tpu.memref_slice %arg7[%mul3A_51, %dma_start3A_93] : memref<10000x128xf32, #tpu.memory_space<vmem_shared>> -> memref<80x128xf32, #tpu.memory_space<vmem_shared>>
      tpu.enqueue_dma source(%dma_start3A_94 : memref<80x128xf32, #tpu.memory_space<vmem_shared>>) target(%arg10 : memref<80x128xf32, #tpu.memory_space<vmem>>) target_semaphore(%run_scoped3A : memref<!tpu.dma_semaphore, #tpu.memory_space<semaphore_mem>>)
      %dma_wait3A = arith.constant 0 : i32
      %dma_wait3A_95 = tpu.memref_slice %arg7[%mul3A_51, %dma_wait3A] : memref<10000x128xf32, #tpu.memory_space<vmem_shared>> -> memref<80x128xf32, #tpu.memory_space<vmem_shared>>
      %dma_wait3A_96 = arith.constant 0 : i32
      %dma_wait3A_97 = tpu.memref_slice %arg7[%mul3A_51, %dma_wait3A_96] : memref<10000x128xf32, #tpu.memory_space<vmem_shared>> -> memref<80x128xf32, #tpu.memory_space<vmem_shared>>
      tpu.wait_dma2 semaphore(%run_scoped3A : memref<!tpu.dma_semaphore, #tpu.memory_space<semaphore_mem>>) src(%dma_wait3A_97 : memref<80x128xf32, #tpu.memory_space<vmem_shared>>) dst(%arg10 : memref<80x128xf32, #tpu.memory_space<vmem>>)
      tpu.yield
    }) : () -> ()
    %mul3A_52 = arith.constant 80 : i32
    %mul3A_53 = arith.muli %add3A_49, %mul3A_52 : i32
    "tpu.region"() ({
      %run_scoped3A = tpu.sem_alloc : memref<!tpu.dma_semaphore, #tpu.memory_space<semaphore_mem>>
      %dma_start3A = arith.constant 0 : i32
      %dma_start3A_92 = tpu.memref_slice %arg6[%arg0, %mul3A_53, %dma_start3A] : memref<2x10000x128xf32, #tpu.memory_space<hbm>> -> memref<1x80x128xf32, #tpu.memory_space<hbm>>
      %dma_start3A_93 = tpu.memref_squeeze %dma_start3A_92 : memref<1x80x128xf32, #tpu.memory_space<hbm>> -> memref<80x128xf32, #tpu.memory_space<hbm>>
      %dma_start3A_94 = arith.constant 0 : i32
      %dma_start3A_95 = tpu.memref_slice %arg6[%arg0, %mul3A_53, %dma_start3A_94] : memref<2x10000x128xf32, #tpu.memory_space<hbm>> -> memref<1x80x128xf32, #tpu.memory_space<hbm>>
      %dma_start3A_96 = tpu.memref_squeeze %dma_start3A_95 : memref<1x80x128xf32, #tpu.memory_space<hbm>> -> memref<80x128xf32, #tpu.memory_space<hbm>>
      tpu.enqueue_dma source(%arg10 : memref<80x128xf32, #tpu.memory_space<vmem>>) target(%dma_start3A_96 : memref<80x128xf32, #tpu.memory_space<hbm>>) target_semaphore(%run_scoped3A : memref<!tpu.dma_semaphore, #tpu.memory_space<semaphore_mem>>)
      %dma_wait3A = arith.constant 0 : i32
      %dma_wait3A_97 = tpu.memref_slice %arg6[%arg0, %mul3A_53, %dma_wait3A] : memref<2x10000x128xf32, #tpu.memory_space<hbm>> -> memref<1x80x128xf32, #tpu.memory_space<hbm>>
      %dma_wait3A_98 = tpu.memref_squeeze %dma_wait3A_97 : memref<1x80x128xf32, #tpu.memory_space<hbm>> -> memref<80x128xf32, #tpu.memory_space<hbm>>
      %dma_wait3A_99 = arith.constant 0 : i32
      %dma_wait3A_100 = tpu.memref_slice %arg6[%arg0, %mul3A_53, %dma_wait3A_99] : memref<2x10000x128xf32, #tpu.memory_space<hbm>> -> memref<1x80x128xf32, #tpu.memory_space<hbm>>
      %dma_wait3A_101 = tpu.memref_squeeze %dma_wait3A_100 : memref<1x80x128xf32, #tpu.memory_space<hbm>> -> memref<80x128xf32, #tpu.memory_space<hbm>>
      tpu.wait_dma2 semaphore(%run_scoped3A : memref<!tpu.dma_semaphore, #tpu.memory_space<semaphore_mem>>) src(%arg10 : memref<80x128xf32, #tpu.memory_space<vmem>>) dst(%dma_wait3A_101 : memref<80x128xf32, #tpu.memory_space<hbm>>)
      tpu.yield
    }) : () -> ()
    %add3A_54 = arith.constant 32 : i32
    %add3A_55 = arith.addi %arg1, %add3A_54 : i32
    %mul3A_56 = arith.constant 80 : i32
    %mul3A_57 = arith.muli %add3A_55, %mul3A_56 : i32
    "tpu.region"() ({
      %run_scoped3A = tpu.sem_alloc : memref<!tpu.dma_semaphore, #tpu.memory_space<semaphore_mem>>
      %dma_start3A = arith.constant 0 : i32
      %dma_start3A_92 = tpu.memref_slice %arg7[%mul3A_57, %dma_start3A] : memref<10000x128xf32, #tpu.memory_space<vmem_shared>> -> memref<80x128xf32, #tpu.memory_space<vmem_shared>>
      %dma_start3A_93 = arith.constant 0 : i32
      %dma_start3A_94 = tpu.memref_slice %arg7[%mul3A_57, %dma_start3A_93] : memref<10000x128xf32, #tpu.memory_space<vmem_shared>> -> memref<80x128xf32, #tpu.memory_space<vmem_shared>>
      tpu.enqueue_dma source(%dma_start3A_94 : memref<80x128xf32, #tpu.memory_space<vmem_shared>>) target(%arg10 : memref<80x128xf32, #tpu.memory_space<vmem>>) target_semaphore(%run_scoped3A : memref<!tpu.dma_semaphore, #tpu.memory_space<semaphore_mem>>)
      %dma_wait3A = arith.constant 0 : i32
      %dma_wait3A_95 = tpu.memref_slice %arg7[%mul3A_57, %dma_wait3A] : memref<10000x128xf32, #tpu.memory_space<vmem_shared>> -> memref<80x128xf32, #tpu.memory_space<vmem_shared>>
      %dma_wait3A_96 = arith.constant 0 : i32
      %dma_wait3A_97 = tpu.memref_slice %arg7[%mul3A_57, %dma_wait3A_96] : memref<10000x128xf32, #tpu.memory_space<vmem_shared>> -> memref<80x128xf32, #tpu.memory_space<vmem_shared>>
      tpu.wait_dma2 semaphore(%run_scoped3A : memref<!tpu.dma_semaphore, #tpu.memory_space<semaphore_mem>>) src(%dma_wait3A_97 : memref<80x128xf32, #tpu.memory_space<vmem_shared>>) dst(%arg10 : memref<80x128xf32, #tpu.memory_space<vmem>>)
      tpu.yield
    }) : () -> ()
    %mul3A_58 = arith.constant 80 : i32
    %mul3A_59 = arith.muli %add3A_55, %mul3A_58 : i32
    "tpu.region"() ({
      %run_scoped3A = tpu.sem_alloc : memref<!tpu.dma_semaphore, #tpu.memory_space<semaphore_mem>>
      %dma_start3A = arith.constant 0 : i32
      %dma_start3A_92 = tpu.memref_slice %arg6[%arg0, %mul3A_59, %dma_start3A] : memref<2x10000x128xf32, #tpu.memory_space<hbm>> -> memref<1x80x128xf32, #tpu.memory_space<hbm>>
      %dma_start3A_93 = tpu.memref_squeeze %dma_start3A_92 : memref<1x80x128xf32, #tpu.memory_space<hbm>> -> memref<80x128xf32, #tpu.memory_space<hbm>>
      %dma_start3A_94 = arith.constant 0 : i32
      %dma_start3A_95 = tpu.memref_slice %arg6[%arg0, %mul3A_59, %dma_start3A_94] : memref<2x10000x128xf32, #tpu.memory_space<hbm>> -> memref<1x80x128xf32, #tpu.memory_space<hbm>>
      %dma_start3A_96 = tpu.memref_squeeze %dma_start3A_95 : memref<1x80x128xf32, #tpu.memory_space<hbm>> -> memref<80x128xf32, #tpu.memory_space<hbm>>
      tpu.enqueue_dma source(%arg10 : memref<80x128xf32, #tpu.memory_space<vmem>>) target(%dma_start3A_96 : memref<80x128xf32, #tpu.memory_space<hbm>>) target_semaphore(%run_scoped3A : memref<!tpu.dma_semaphore, #tpu.memory_space<semaphore_mem>>)
      %dma_wait3A = arith.constant 0 : i32
      %dma_wait3A_97 = tpu.memref_slice %arg6[%arg0, %mul3A_59, %dma_wait3A] : memref<2x10000x128xf32, #tpu.memory_space<hbm>> -> memref<1x80x128xf32, #tpu.memory_space<hbm>>
      %dma_wait3A_98 = tpu.memref_squeeze %dma_wait3A_97 : memref<1x80x128xf32, #tpu.memory_space<hbm>> -> memref<80x128xf32, #tpu.memory_space<hbm>>
      %dma_wait3A_99 = arith.constant 0 : i32
      %dma_wait3A_100 = tpu.memref_slice %arg6[%arg0, %mul3A_59, %dma_wait3A_99] : memref<2x10000x128xf32, #tpu.memory_space<hbm>> -> memref<1x80x128xf32, #tpu.memory_space<hbm>>
      %dma_wait3A_101 = tpu.memref_squeeze %dma_wait3A_100 : memref<1x80x128xf32, #tpu.memory_space<hbm>> -> memref<80x128xf32, #tpu.memory_space<hbm>>
      tpu.wait_dma2 semaphore(%run_scoped3A : memref<!tpu.dma_semaphore, #tpu.memory_space<semaphore_mem>>) src(%arg10 : memref<80x128xf32, #tpu.memory_space<vmem>>) dst(%dma_wait3A_101 : memref<80x128xf32, #tpu.memory_space<hbm>>)
      tpu.yield
    }) : () -> ()
    %add3A_60 = arith.constant 48 : i32
    %add3A_61 = arith.addi %arg1, %add3A_60 : i32
    %mul3A_62 = arith.constant 80 : i32
    %mul3A_63 = arith.muli %add3A_61, %mul3A_62 : i32
    "tpu.region"() ({
      %run_scoped3A = tpu.sem_alloc : memref<!tpu.dma_semaphore, #tpu.memory_space<semaphore_mem>>
      %dma_start3A = arith.constant 0 : i32
      %dma_start3A_92 = tpu.memref_slice %arg7[%mul3A_63, %dma_start3A] : memref<10000x128xf32, #tpu.memory_space<vmem_shared>> -> memref<80x128xf32, #tpu.memory_space<vmem_shared>>
      %dma_start3A_93 = arith.constant 0 : i32
      %dma_start3A_94 = tpu.memref_slice %arg7[%mul3A_63, %dma_start3A_93] : memref<10000x128xf32, #tpu.memory_space<vmem_shared>> -> memref<80x128xf32, #tpu.memory_space<vmem_shared>>
      tpu.enqueue_dma source(%dma_start3A_94 : memref<80x128xf32, #tpu.memory_space<vmem_shared>>) target(%arg10 : memref<80x128xf32, #tpu.memory_space<vmem>>) target_semaphore(%run_scoped3A : memref<!tpu.dma_semaphore, #tpu.memory_space<semaphore_mem>>)
      %dma_wait3A = arith.constant 0 : i32
      %dma_wait3A_95 = tpu.memref_slice %arg7[%mul3A_63, %dma_wait3A] : memref<10000x128xf32, #tpu.memory_space<vmem_shared>> -> memref<80x128xf32, #tpu.memory_space<vmem_shared>>
      %dma_wait3A_96 = arith.constant 0 : i32
      %dma_wait3A_97 = tpu.memref_slice %arg7[%mul3A_63, %dma_wait3A_96] : memref<10000x128xf32, #tpu.memory_space<vmem_shared>> -> memref<80x128xf32, #tpu.memory_space<vmem_shared>>
      tpu.wait_dma2 semaphore(%run_scoped3A : memref<!tpu.dma_semaphore, #tpu.memory_space<semaphore_mem>>) src(%dma_wait3A_97 : memref<80x128xf32, #tpu.memory_space<vmem_shared>>) dst(%arg10 : memref<80x128xf32, #tpu.memory_space<vmem>>)
      tpu.yield
    }) : () -> ()
    %mul3A_64 = arith.constant 80 : i32
    %mul3A_65 = arith.muli %add3A_61, %mul3A_64 : i32
    "tpu.region"() ({
      %run_scoped3A = tpu.sem_alloc : memref<!tpu.dma_semaphore, #tpu.memory_space<semaphore_mem>>
      %dma_start3A = arith.constant 0 : i32
      %dma_start3A_92 = tpu.memref_slice %arg6[%arg0, %mul3A_65, %dma_start3A] : memref<2x10000x128xf32, #tpu.memory_space<hbm>> -> memref<1x80x128xf32, #tpu.memory_space<hbm>>
      %dma_start3A_93 = tpu.memref_squeeze %dma_start3A_92 : memref<1x80x128xf32, #tpu.memory_space<hbm>> -> memref<80x128xf32, #tpu.memory_space<hbm>>
      %dma_start3A_94 = arith.constant 0 : i32
      %dma_start3A_95 = tpu.memref_slice %arg6[%arg0, %mul3A_65, %dma_start3A_94] : memref<2x10000x128xf32, #tpu.memory_space<hbm>> -> memref<1x80x128xf32, #tpu.memory_space<hbm>>
      %dma_start3A_96 = tpu.memref_squeeze %dma_start3A_95 : memref<1x80x128xf32, #tpu.memory_space<hbm>> -> memref<80x128xf32, #tpu.memory_space<hbm>>
      tpu.enqueue_dma source(%arg10 : memref<80x128xf32, #tpu.memory_space<vmem>>) target(%dma_start3A_96 : memref<80x128xf32, #tpu.memory_space<hbm>>) target_semaphore(%run_scoped3A : memref<!tpu.dma_semaphore, #tpu.memory_space<semaphore_mem>>)
      %dma_wait3A = arith.constant 0 : i32
      %dma_wait3A_97 = tpu.memref_slice %arg6[%arg0, %mul3A_65, %dma_wait3A] : memref<2x10000x128xf32, #tpu.memory_space<hbm>> -> memref<1x80x128xf32, #tpu.memory_space<hbm>>
      %dma_wait3A_98 = tpu.memref_squeeze %dma_wait3A_97 : memref<1x80x128xf32, #tpu.memory_space<hbm>> -> memref<80x128xf32, #tpu.memory_space<hbm>>
      %dma_wait3A_99 = arith.constant 0 : i32
      %dma_wait3A_100 = tpu.memref_slice %arg6[%arg0, %mul3A_65, %dma_wait3A_99] : memref<2x10000x128xf32, #tpu.memory_space<hbm>> -> memref<1x80x128xf32, #tpu.memory_space<hbm>>
      %dma_wait3A_101 = tpu.memref_squeeze %dma_wait3A_100 : memref<1x80x128xf32, #tpu.memory_space<hbm>> -> memref<80x128xf32, #tpu.memory_space<hbm>>
      tpu.wait_dma2 semaphore(%run_scoped3A : memref<!tpu.dma_semaphore, #tpu.memory_space<semaphore_mem>>) src(%arg10 : memref<80x128xf32, #tpu.memory_space<vmem>>) dst(%dma_wait3A_101 : memref<80x128xf32, #tpu.memory_space<hbm>>)
      tpu.yield
    }) : () -> ()
    %add3A_66 = arith.constant 64 : i32
    %add3A_67 = arith.addi %arg1, %add3A_66 : i32
    %mul3A_68 = arith.constant 80 : i32
    %mul3A_69 = arith.muli %add3A_67, %mul3A_68 : i32
    "tpu.region"() ({
      %run_scoped3A = tpu.sem_alloc : memref<!tpu.dma_semaphore, #tpu.memory_space<semaphore_mem>>
      %dma_start3A = arith.constant 0 : i32
      %dma_start3A_92 = tpu.memref_slice %arg7[%mul3A_69, %dma_start3A] : memref<10000x128xf32, #tpu.memory_space<vmem_shared>> -> memref<80x128xf32, #tpu.memory_space<vmem_shared>>
      %dma_start3A_93 = arith.constant 0 : i32
      %dma_start3A_94 = tpu.memref_slice %arg7[%mul3A_69, %dma_start3A_93] : memref<10000x128xf32, #tpu.memory_space<vmem_shared>> -> memref<80x128xf32, #tpu.memory_space<vmem_shared>>
      tpu.enqueue_dma source(%dma_start3A_94 : memref<80x128xf32, #tpu.memory_space<vmem_shared>>) target(%arg10 : memref<80x128xf32, #tpu.memory_space<vmem>>) target_semaphore(%run_scoped3A : memref<!tpu.dma_semaphore, #tpu.memory_space<semaphore_mem>>)
      %dma_wait3A = arith.constant 0 : i32
      %dma_wait3A_95 = tpu.memref_slice %arg7[%mul3A_69, %dma_wait3A] : memref<10000x128xf32, #tpu.memory_space<vmem_shared>> -> memref<80x128xf32, #tpu.memory_space<vmem_shared>>
      %dma_wait3A_96 = arith.constant 0 : i32
      %dma_wait3A_97 = tpu.memref_slice %arg7[%mul3A_69, %dma_wait3A_96] : memref<10000x128xf32, #tpu.memory_space<vmem_shared>> -> memref<80x128xf32, #tpu.memory_space<vmem_shared>>
      tpu.wait_dma2 semaphore(%run_scoped3A : memref<!tpu.dma_semaphore, #tpu.memory_space<semaphore_mem>>) src(%dma_wait3A_97 : memref<80x128xf32, #tpu.memory_space<vmem_shared>>) dst(%arg10 : memref<80x128xf32, #tpu.memory_space<vmem>>)
      tpu.yield
    }) : () -> ()
    %mul3A_70 = arith.constant 80 : i32
    %mul3A_71 = arith.muli %add3A_67, %mul3A_70 : i32
    "tpu.region"() ({
      %run_scoped3A = tpu.sem_alloc : memref<!tpu.dma_semaphore, #tpu.memory_space<semaphore_mem>>
      %dma_start3A = arith.constant 0 : i32
      %dma_start3A_92 = tpu.memref_slice %arg6[%arg0, %mul3A_71, %dma_start3A] : memref<2x10000x128xf32, #tpu.memory_space<hbm>> -> memref<1x80x128xf32, #tpu.memory_space<hbm>>
      %dma_start3A_93 = tpu.memref_squeeze %dma_start3A_92 : memref<1x80x128xf32, #tpu.memory_space<hbm>> -> memref<80x128xf32, #tpu.memory_space<hbm>>
      %dma_start3A_94 = arith.constant 0 : i32
      %dma_start3A_95 = tpu.memref_slice %arg6[%arg0, %mul3A_71, %dma_start3A_94] : memref<2x10000x128xf32, #tpu.memory_space<hbm>> -> memref<1x80x128xf32, #tpu.memory_space<hbm>>
      %dma_start3A_96 = tpu.memref_squeeze %dma_start3A_95 : memref<1x80x128xf32, #tpu.memory_space<hbm>> -> memref<80x128xf32, #tpu.memory_space<hbm>>
      tpu.enqueue_dma source(%arg10 : memref<80x128xf32, #tpu.memory_space<vmem>>) target(%dma_start3A_96 : memref<80x128xf32, #tpu.memory_space<hbm>>) target_semaphore(%run_scoped3A : memref<!tpu.dma_semaphore, #tpu.memory_space<semaphore_mem>>)
      %dma_wait3A = arith.constant 0 : i32
      %dma_wait3A_97 = tpu.memref_slice %arg6[%arg0, %mul3A_71, %dma_wait3A] : memref<2x10000x128xf32, #tpu.memory_space<hbm>> -> memref<1x80x128xf32, #tpu.memory_space<hbm>>
      %dma_wait3A_98 = tpu.memref_squeeze %dma_wait3A_97 : memref<1x80x128xf32, #tpu.memory_space<hbm>> -> memref<80x128xf32, #tpu.memory_space<hbm>>
      %dma_wait3A_99 = arith.constant 0 : i32
      %dma_wait3A_100 = tpu.memref_slice %arg6[%arg0, %mul3A_71, %dma_wait3A_99] : memref<2x10000x128xf32, #tpu.memory_space<hbm>> -> memref<1x80x128xf32, #tpu.memory_space<hbm>>
      %dma_wait3A_101 = tpu.memref_squeeze %dma_wait3A_100 : memref<1x80x128xf32, #tpu.memory_space<hbm>> -> memref<80x128xf32, #tpu.memory_space<hbm>>
      tpu.wait_dma2 semaphore(%run_scoped3A : memref<!tpu.dma_semaphore, #tpu.memory_space<semaphore_mem>>) src(%arg10 : memref<80x128xf32, #tpu.memory_space<vmem>>) dst(%dma_wait3A_101 : memref<80x128xf32, #tpu.memory_space<hbm>>)
      tpu.yield
    }) : () -> ()
    %add3A_72 = arith.constant 80 : i32
    %add3A_73 = arith.addi %arg1, %add3A_72 : i32
    %mul3A_74 = arith.constant 80 : i32
    %mul3A_75 = arith.muli %add3A_73, %mul3A_74 : i32
    "tpu.region"() ({
      %run_scoped3A = tpu.sem_alloc : memref<!tpu.dma_semaphore, #tpu.memory_space<semaphore_mem>>
      %dma_start3A = arith.constant 0 : i32
      %dma_start3A_92 = tpu.memref_slice %arg7[%mul3A_75, %dma_start3A] : memref<10000x128xf32, #tpu.memory_space<vmem_shared>> -> memref<80x128xf32, #tpu.memory_space<vmem_shared>>
      %dma_start3A_93 = arith.constant 0 : i32
      %dma_start3A_94 = tpu.memref_slice %arg7[%mul3A_75, %dma_start3A_93] : memref<10000x128xf32, #tpu.memory_space<vmem_shared>> -> memref<80x128xf32, #tpu.memory_space<vmem_shared>>
      tpu.enqueue_dma source(%dma_start3A_94 : memref<80x128xf32, #tpu.memory_space<vmem_shared>>) target(%arg10 : memref<80x128xf32, #tpu.memory_space<vmem>>) target_semaphore(%run_scoped3A : memref<!tpu.dma_semaphore, #tpu.memory_space<semaphore_mem>>)
      %dma_wait3A = arith.constant 0 : i32
      %dma_wait3A_95 = tpu.memref_slice %arg7[%mul3A_75, %dma_wait3A] : memref<10000x128xf32, #tpu.memory_space<vmem_shared>> -> memref<80x128xf32, #tpu.memory_space<vmem_shared>>
      %dma_wait3A_96 = arith.constant 0 : i32
      %dma_wait3A_97 = tpu.memref_slice %arg7[%mul3A_75, %dma_wait3A_96] : memref<10000x128xf32, #tpu.memory_space<vmem_shared>> -> memref<80x128xf32, #tpu.memory_space<vmem_shared>>
      tpu.wait_dma2 semaphore(%run_scoped3A : memref<!tpu.dma_semaphore, #tpu.memory_space<semaphore_mem>>) src(%dma_wait3A_97 : memref<80x128xf32, #tpu.memory_space<vmem_shared>>) dst(%arg10 : memref<80x128xf32, #tpu.memory_space<vmem>>)
      tpu.yield
    }) : () -> ()
    %mul3A_76 = arith.constant 80 : i32
    %mul3A_77 = arith.muli %add3A_73, %mul3A_76 : i32
    "tpu.region"() ({
      %run_scoped3A = tpu.sem_alloc : memref<!tpu.dma_semaphore, #tpu.memory_space<semaphore_mem>>
      %dma_start3A = arith.constant 0 : i32
      %dma_start3A_92 = tpu.memref_slice %arg6[%arg0, %mul3A_77, %dma_start3A] : memref<2x10000x128xf32, #tpu.memory_space<hbm>> -> memref<1x80x128xf32, #tpu.memory_space<hbm>>
      %dma_start3A_93 = tpu.memref_squeeze %dma_start3A_92 : memref<1x80x128xf32, #tpu.memory_space<hbm>> -> memref<80x128xf32, #tpu.memory_space<hbm>>
      %dma_start3A_94 = arith.constant 0 : i32
      %dma_start3A_95 = tpu.memref_slice %arg6[%arg0, %mul3A_77, %dma_start3A_94] : memref<2x10000x128xf32, #tpu.memory_space<hbm>> -> memref<1x80x128xf32, #tpu.memory_space<hbm>>
      %dma_start3A_96 = tpu.memref_squeeze %dma_start3A_95 : memref<1x80x128xf32, #tpu.memory_space<hbm>> -> memref<80x128xf32, #tpu.memory_space<hbm>>
      tpu.enqueue_dma source(%arg10 : memref<80x128xf32, #tpu.memory_space<vmem>>) target(%dma_start3A_96 : memref<80x128xf32, #tpu.memory_space<hbm>>) target_semaphore(%run_scoped3A : memref<!tpu.dma_semaphore, #tpu.memory_space<semaphore_mem>>)
      %dma_wait3A = arith.constant 0 : i32
      %dma_wait3A_97 = tpu.memref_slice %arg6[%arg0, %mul3A_77, %dma_wait3A] : memref<2x10000x128xf32, #tpu.memory_space<hbm>> -> memref<1x80x128xf32, #tpu.memory_space<hbm>>
      %dma_wait3A_98 = tpu.memref_squeeze %dma_wait3A_97 : memref<1x80x128xf32, #tpu.memory_space<hbm>> -> memref<80x128xf32, #tpu.memory_space<hbm>>
      %dma_wait3A_99 = arith.constant 0 : i32
      %dma_wait3A_100 = tpu.memref_slice %arg6[%arg0, %mul3A_77, %dma_wait3A_99] : memref<2x10000x128xf32, #tpu.memory_space<hbm>> -> memref<1x80x128xf32, #tpu.memory_space<hbm>>
      %dma_wait3A_101 = tpu.memref_squeeze %dma_wait3A_100 : memref<1x80x128xf32, #tpu.memory_space<hbm>> -> memref<80x128xf32, #tpu.memory_space<hbm>>
      tpu.wait_dma2 semaphore(%run_scoped3A : memref<!tpu.dma_semaphore, #tpu.memory_space<semaphore_mem>>) src(%arg10 : memref<80x128xf32, #tpu.memory_space<vmem>>) dst(%dma_wait3A_101 : memref<80x128xf32, #tpu.memory_space<hbm>>)
      tpu.yield
    }) : () -> ()
    %add3A_78 = arith.constant 96 : i32
    %add3A_79 = arith.addi %arg1, %add3A_78 : i32
    %mul3A_80 = arith.constant 80 : i32
    %mul3A_81 = arith.muli %add3A_79, %mul3A_80 : i32
    "tpu.region"() ({
      %run_scoped3A = tpu.sem_alloc : memref<!tpu.dma_semaphore, #tpu.memory_space<semaphore_mem>>
      %dma_start3A = arith.constant 0 : i32
      %dma_start3A_92 = tpu.memref_slice %arg7[%mul3A_81, %dma_start3A] : memref<10000x128xf32, #tpu.memory_space<vmem_shared>> -> memref<80x128xf32, #tpu.memory_space<vmem_shared>>
      %dma_start3A_93 = arith.constant 0 : i32
      %dma_start3A_94 = tpu.memref_slice %arg7[%mul3A_81, %dma_start3A_93] : memref<10000x128xf32, #tpu.memory_space<vmem_shared>> -> memref<80x128xf32, #tpu.memory_space<vmem_shared>>
      tpu.enqueue_dma source(%dma_start3A_94 : memref<80x128xf32, #tpu.memory_space<vmem_shared>>) target(%arg10 : memref<80x128xf32, #tpu.memory_space<vmem>>) target_semaphore(%run_scoped3A : memref<!tpu.dma_semaphore, #tpu.memory_space<semaphore_mem>>)
      %dma_wait3A = arith.constant 0 : i32
      %dma_wait3A_95 = tpu.memref_slice %arg7[%mul3A_81, %dma_wait3A] : memref<10000x128xf32, #tpu.memory_space<vmem_shared>> -> memref<80x128xf32, #tpu.memory_space<vmem_shared>>
      %dma_wait3A_96 = arith.constant 0 : i32
      %dma_wait3A_97 = tpu.memref_slice %arg7[%mul3A_81, %dma_wait3A_96] : memref<10000x128xf32, #tpu.memory_space<vmem_shared>> -> memref<80x128xf32, #tpu.memory_space<vmem_shared>>
      tpu.wait_dma2 semaphore(%run_scoped3A : memref<!tpu.dma_semaphore, #tpu.memory_space<semaphore_mem>>) src(%dma_wait3A_97 : memref<80x128xf32, #tpu.memory_space<vmem_shared>>) dst(%arg10 : memref<80x128xf32, #tpu.memory_space<vmem>>)
      tpu.yield
    }) : () -> ()
    %mul3A_82 = arith.constant 80 : i32
    %mul3A_83 = arith.muli %add3A_79, %mul3A_82 : i32
    "tpu.region"() ({
      %run_scoped3A = tpu.sem_alloc : memref<!tpu.dma_semaphore, #tpu.memory_space<semaphore_mem>>
      %dma_start3A = arith.constant 0 : i32
      %dma_start3A_92 = tpu.memref_slice %arg6[%arg0, %mul3A_83, %dma_start3A] : memref<2x10000x128xf32, #tpu.memory_space<hbm>> -> memref<1x80x128xf32, #tpu.memory_space<hbm>>
      %dma_start3A_93 = tpu.memref_squeeze %dma_start3A_92 : memref<1x80x128xf32, #tpu.memory_space<hbm>> -> memref<80x128xf32, #tpu.memory_space<hbm>>
      %dma_start3A_94 = arith.constant 0 : i32
      %dma_start3A_95 = tpu.memref_slice %arg6[%arg0, %mul3A_83, %dma_start3A_94] : memref<2x10000x128xf32, #tpu.memory_space<hbm>> -> memref<1x80x128xf32, #tpu.memory_space<hbm>>
      %dma_start3A_96 = tpu.memref_squeeze %dma_start3A_95 : memref<1x80x128xf32, #tpu.memory_space<hbm>> -> memref<80x128xf32, #tpu.memory_space<hbm>>
      tpu.enqueue_dma source(%arg10 : memref<80x128xf32, #tpu.memory_space<vmem>>) target(%dma_start3A_96 : memref<80x128xf32, #tpu.memory_space<hbm>>) target_semaphore(%run_scoped3A : memref<!tpu.dma_semaphore, #tpu.memory_space<semaphore_mem>>)
      %dma_wait3A = arith.constant 0 : i32
      %dma_wait3A_97 = tpu.memref_slice %arg6[%arg0, %mul3A_83, %dma_wait3A] : memref<2x10000x128xf32, #tpu.memory_space<hbm>> -> memref<1x80x128xf32, #tpu.memory_space<hbm>>
      %dma_wait3A_98 = tpu.memref_squeeze %dma_wait3A_97 : memref<1x80x128xf32, #tpu.memory_space<hbm>> -> memref<80x128xf32, #tpu.memory_space<hbm>>
      %dma_wait3A_99 = arith.constant 0 : i32
      %dma_wait3A_100 = tpu.memref_slice %arg6[%arg0, %mul3A_83, %dma_wait3A_99] : memref<2x10000x128xf32, #tpu.memory_space<hbm>> -> memref<1x80x128xf32, #tpu.memory_space<hbm>>
      %dma_wait3A_101 = tpu.memref_squeeze %dma_wait3A_100 : memref<1x80x128xf32, #tpu.memory_space<hbm>> -> memref<80x128xf32, #tpu.memory_space<hbm>>
      tpu.wait_dma2 semaphore(%run_scoped3A : memref<!tpu.dma_semaphore, #tpu.memory_space<semaphore_mem>>) src(%arg10 : memref<80x128xf32, #tpu.memory_space<vmem>>) dst(%dma_wait3A_101 : memref<80x128xf32, #tpu.memory_space<hbm>>)
      tpu.yield
    }) : () -> ()
    %rem3A_84 = arith.constant 13 : i32
    %rem3A_85 = arith.remsi %arg1, %rem3A_84 : i32
    %add3A_86 = arith.constant 112 : i32
    %add3A_87 = arith.addi %add3A_86, %rem3A_85 : i32
    %mul3A_88 = arith.constant 80 : i32
    %mul3A_89 = arith.muli %add3A_87, %mul3A_88 : i32
    "tpu.region"() ({
      %run_scoped3A = tpu.sem_alloc : memref<!tpu.dma_semaphore, #tpu.memory_space<semaphore_mem>>
      %dma_start3A = arith.constant 0 : i32
      %dma_start3A_92 = tpu.memref_slice %arg7[%mul3A_89, %dma_start3A] : memref<10000x128xf32, #tpu.memory_space<vmem_shared>> -> memref<80x128xf32, #tpu.memory_space<vmem_shared>>
      %dma_start3A_93 = arith.constant 0 : i32
      %dma_start3A_94 = tpu.memref_slice %arg7[%mul3A_89, %dma_start3A_93] : memref<10000x128xf32, #tpu.memory_space<vmem_shared>> -> memref<80x128xf32, #tpu.memory_space<vmem_shared>>
      tpu.enqueue_dma source(%dma_start3A_94 : memref<80x128xf32, #tpu.memory_space<vmem_shared>>) target(%arg10 : memref<80x128xf32, #tpu.memory_space<vmem>>) target_semaphore(%run_scoped3A : memref<!tpu.dma_semaphore, #tpu.memory_space<semaphore_mem>>)
      %dma_wait3A = arith.constant 0 : i32
      %dma_wait3A_95 = tpu.memref_slice %arg7[%mul3A_89, %dma_wait3A] : memref<10000x128xf32, #tpu.memory_space<vmem_shared>> -> memref<80x128xf32, #tpu.memory_space<vmem_shared>>
      %dma_wait3A_96 = arith.constant 0 : i32
      %dma_wait3A_97 = tpu.memref_slice %arg7[%mul3A_89, %dma_wait3A_96] : memref<10000x128xf32, #tpu.memory_space<vmem_shared>> -> memref<80x128xf32, #tpu.memory_space<vmem_shared>>
      tpu.wait_dma2 semaphore(%run_scoped3A : memref<!tpu.dma_semaphore, #tpu.memory_space<semaphore_mem>>) src(%dma_wait3A_97 : memref<80x128xf32, #tpu.memory_space<vmem_shared>>) dst(%arg10 : memref<80x128xf32, #tpu.memory_space<vmem>>)
      tpu.yield
    }) : () -> ()
    %mul3A_90 = arith.constant 80 : i32
    %mul3A_91 = arith.muli %add3A_87, %mul3A_90 : i32
    "tpu.region"() ({
      %run_scoped3A = tpu.sem_alloc : memref<!tpu.dma_semaphore, #tpu.memory_space<semaphore_mem>>
      %dma_start3A = arith.constant 0 : i32
      %dma_start3A_92 = tpu.memref_slice %arg6[%arg0, %mul3A_91, %dma_start3A] : memref<2x10000x128xf32, #tpu.memory_space<hbm>> -> memref<1x80x128xf32, #tpu.memory_space<hbm>>
      %dma_start3A_93 = tpu.memref_squeeze %dma_start3A_92 : memref<1x80x128xf32, #tpu.memory_space<hbm>> -> memref<80x128xf32, #tpu.memory_space<hbm>>
      %dma_start3A_94 = arith.constant 0 : i32
      %dma_start3A_95 = tpu.memref_slice %arg6[%arg0, %mul3A_91, %dma_start3A_94] : memref<2x10000x128xf32, #tpu.memory_space<hbm>> -> memref<1x80x128xf32, #tpu.memory_space<hbm>>
      %dma_start3A_96 = tpu.memref_squeeze %dma_start3A_95 : memref<1x80x128xf32, #tpu.memory_space<hbm>> -> memref<80x128xf32, #tpu.memory_space<hbm>>
      tpu.enqueue_dma source(%arg10 : memref<80x128xf32, #tpu.memory_space<vmem>>) target(%dma_start3A_96 : memref<80x128xf32, #tpu.memory_space<hbm>>) target_semaphore(%run_scoped3A : memref<!tpu.dma_semaphore, #tpu.memory_space<semaphore_mem>>)
      %dma_wait3A = arith.constant 0 : i32
      %dma_wait3A_97 = tpu.memref_slice %arg6[%arg0, %mul3A_91, %dma_wait3A] : memref<2x10000x128xf32, #tpu.memory_space<hbm>> -> memref<1x80x128xf32, #tpu.memory_space<hbm>>
      %dma_wait3A_98 = tpu.memref_squeeze %dma_wait3A_97 : memref<1x80x128xf32, #tpu.memory_space<hbm>> -> memref<80x128xf32, #tpu.memory_space<hbm>>
      %dma_wait3A_99 = arith.constant 0 : i32
      %dma_wait3A_100 = tpu.memref_slice %arg6[%arg0, %mul3A_91, %dma_wait3A_99] : memref<2x10000x128xf32, #tpu.memory_space<hbm>> -> memref<1x80x128xf32, #tpu.memory_space<hbm>>
      %dma_wait3A_101 = tpu.memref_squeeze %dma_wait3A_100 : memref<1x80x128xf32, #tpu.memory_space<hbm>> -> memref<80x128xf32, #tpu.memory_space<hbm>>
      tpu.wait_dma2 semaphore(%run_scoped3A : memref<!tpu.dma_semaphore, #tpu.memory_space<semaphore_mem>>) src(%arg10 : memref<80x128xf32, #tpu.memory_space<vmem>>) dst(%dma_wait3A_101 : memref<80x128xf32, #tpu.memory_space<hbm>>)
      tpu.yield
    }) : () -> ()
    return
  }
}

#map = affine_map<(d0, d1) -> (0)>
#map1 = affine_map<(d0, d1) -> (0, 0)>
#map2 = affine_map<(d0, d1) -> (0, 0, 0)>
module attributes {stable_mosaic.version = 14 : i64} {
  func.func @_sc_cnt_body(%arg0: i32, %arg1: i32, %arg2: memref<320000xi32, #tpu.memory_space<hbm>>, %arg3: memref<80x128xf32, #tpu.memory_space<hbm>>, %arg4: memref<80x128xf32, #tpu.memory_space<hbm>>, %arg5: memref<2x10000x128xf32, #tpu.memory_space<hbm>>, %arg6: memref<10000x128xf32, #tpu.memory_space<vmem_shared>>, %arg7: memref<80xi32, #tpu.memory_space<vmem>>, %arg8: memref<80x128xf32, #tpu.memory_space<vmem>>, %arg9: memref<80x128xf32, #tpu.memory_space<vmem>>) attributes {dimension_semantics = [#tpu.dimension_semantics<core_parallel>, #tpu.dimension_semantics<subcore_parallel>], iteration_bounds = array<i64: 2, 16>, scalar_prefetch = 0 : i64, scratch_operands = 4 : i64, tpu.core_type = #tpu.core_type<sc_vector_subcore>, window_params = [{transform_indices = #map}, {transform_indices = #map1}, {transform_indices = #map1}, {transform_indices = #map2}]} {
    %mul3A = arith.constant 16 : i32
    %mul3A_0 = arith.muli %arg0, %mul3A : i32
    %add3A = arith.addi %mul3A_0, %arg1 : i32
    %mul3A_1 = arith.constant 10000 : i32
    %mul3A_2 = arith.muli %add3A, %mul3A_1 : i32
    "tpu.region"() ({
      %run_scoped3A = tpu.sem_alloc : memref<!tpu.dma_semaphore, #tpu.memory_space<semaphore_mem>>
      tpu.enqueue_dma source(%arg4 : memref<80x128xf32, #tpu.memory_space<hbm>>) target(%arg9 : memref<80x128xf32, #tpu.memory_space<vmem>>) target_semaphore(%run_scoped3A : memref<!tpu.dma_semaphore, #tpu.memory_space<semaphore_mem>>)
      tpu.wait_dma2 semaphore(%run_scoped3A : memref<!tpu.dma_semaphore, #tpu.memory_space<semaphore_mem>>) src(%arg4 : memref<80x128xf32, #tpu.memory_space<hbm>>) dst(%arg9 : memref<80x128xf32, #tpu.memory_space<vmem>>)
      tpu.yield
    }) : () -> ()
    %add3A_3 = arith.constant 0 : i32
    %add3A_4 = arith.addi %arg1, %add3A_3 : i32
    %mul3A_5 = arith.constant 80 : i32
    %mul3A_6 = arith.muli %add3A_4, %mul3A_5 : i32
    "tpu.region"() ({
      %run_scoped3A = tpu.sem_alloc : memref<!tpu.dma_semaphore, #tpu.memory_space<semaphore_mem>>
      %dma_start3A = arith.constant 0 : i32
      %dma_start3A_92 = tpu.memref_slice %arg6[%mul3A_6, %dma_start3A] : memref<10000x128xf32, #tpu.memory_space<vmem_shared>> -> memref<80x128xf32, #tpu.memory_space<vmem_shared>>
      %dma_start3A_93 = arith.constant 0 : i32
      %dma_start3A_94 = tpu.memref_slice %arg6[%mul3A_6, %dma_start3A_93] : memref<10000x128xf32, #tpu.memory_space<vmem_shared>> -> memref<80x128xf32, #tpu.memory_space<vmem_shared>>
      tpu.enqueue_dma source(%arg9 : memref<80x128xf32, #tpu.memory_space<vmem>>) target(%dma_start3A_94 : memref<80x128xf32, #tpu.memory_space<vmem_shared>>) target_semaphore(%run_scoped3A : memref<!tpu.dma_semaphore, #tpu.memory_space<semaphore_mem>>)
      %dma_wait3A = arith.constant 0 : i32
      %dma_wait3A_95 = tpu.memref_slice %arg6[%mul3A_6, %dma_wait3A] : memref<10000x128xf32, #tpu.memory_space<vmem_shared>> -> memref<80x128xf32, #tpu.memory_space<vmem_shared>>
      %dma_wait3A_96 = arith.constant 0 : i32
      %dma_wait3A_97 = tpu.memref_slice %arg6[%mul3A_6, %dma_wait3A_96] : memref<10000x128xf32, #tpu.memory_space<vmem_shared>> -> memref<80x128xf32, #tpu.memory_space<vmem_shared>>
      tpu.wait_dma2 semaphore(%run_scoped3A : memref<!tpu.dma_semaphore, #tpu.memory_space<semaphore_mem>>) src(%arg9 : memref<80x128xf32, #tpu.memory_space<vmem>>) dst(%dma_wait3A_97 : memref<80x128xf32, #tpu.memory_space<vmem_shared>>)
      tpu.yield
    }) : () -> ()
    %add3A_7 = arith.constant 16 : i32
    %add3A_8 = arith.addi %arg1, %add3A_7 : i32
    %mul3A_9 = arith.constant 80 : i32
    %mul3A_10 = arith.muli %add3A_8, %mul3A_9 : i32
    "tpu.region"() ({
      %run_scoped3A = tpu.sem_alloc : memref<!tpu.dma_semaphore, #tpu.memory_space<semaphore_mem>>
      %dma_start3A = arith.constant 0 : i32
      %dma_start3A_92 = tpu.memref_slice %arg6[%mul3A_10, %dma_start3A] : memref<10000x128xf32, #tpu.memory_space<vmem_shared>> -> memref<80x128xf32, #tpu.memory_space<vmem_shared>>
      %dma_start3A_93 = arith.constant 0 : i32
      %dma_start3A_94 = tpu.memref_slice %arg6[%mul3A_10, %dma_start3A_93] : memref<10000x128xf32, #tpu.memory_space<vmem_shared>> -> memref<80x128xf32, #tpu.memory_space<vmem_shared>>
      tpu.enqueue_dma source(%arg9 : memref<80x128xf32, #tpu.memory_space<vmem>>) target(%dma_start3A_94 : memref<80x128xf32, #tpu.memory_space<vmem_shared>>) target_semaphore(%run_scoped3A : memref<!tpu.dma_semaphore, #tpu.memory_space<semaphore_mem>>)
      %dma_wait3A = arith.constant 0 : i32
      %dma_wait3A_95 = tpu.memref_slice %arg6[%mul3A_10, %dma_wait3A] : memref<10000x128xf32, #tpu.memory_space<vmem_shared>> -> memref<80x128xf32, #tpu.memory_space<vmem_shared>>
      %dma_wait3A_96 = arith.constant 0 : i32
      %dma_wait3A_97 = tpu.memref_slice %arg6[%mul3A_10, %dma_wait3A_96] : memref<10000x128xf32, #tpu.memory_space<vmem_shared>> -> memref<80x128xf32, #tpu.memory_space<vmem_shared>>
      tpu.wait_dma2 semaphore(%run_scoped3A : memref<!tpu.dma_semaphore, #tpu.memory_space<semaphore_mem>>) src(%arg9 : memref<80x128xf32, #tpu.memory_space<vmem>>) dst(%dma_wait3A_97 : memref<80x128xf32, #tpu.memory_space<vmem_shared>>)
      tpu.yield
    }) : () -> ()
    %add3A_11 = arith.constant 32 : i32
    %add3A_12 = arith.addi %arg1, %add3A_11 : i32
    %mul3A_13 = arith.constant 80 : i32
    %mul3A_14 = arith.muli %add3A_12, %mul3A_13 : i32
    "tpu.region"() ({
      %run_scoped3A = tpu.sem_alloc : memref<!tpu.dma_semaphore, #tpu.memory_space<semaphore_mem>>
      %dma_start3A = arith.constant 0 : i32
      %dma_start3A_92 = tpu.memref_slice %arg6[%mul3A_14, %dma_start3A] : memref<10000x128xf32, #tpu.memory_space<vmem_shared>> -> memref<80x128xf32, #tpu.memory_space<vmem_shared>>
      %dma_start3A_93 = arith.constant 0 : i32
      %dma_start3A_94 = tpu.memref_slice %arg6[%mul3A_14, %dma_start3A_93] : memref<10000x128xf32, #tpu.memory_space<vmem_shared>> -> memref<80x128xf32, #tpu.memory_space<vmem_shared>>
      tpu.enqueue_dma source(%arg9 : memref<80x128xf32, #tpu.memory_space<vmem>>) target(%dma_start3A_94 : memref<80x128xf32, #tpu.memory_space<vmem_shared>>) target_semaphore(%run_scoped3A : memref<!tpu.dma_semaphore, #tpu.memory_space<semaphore_mem>>)
      %dma_wait3A = arith.constant 0 : i32
      %dma_wait3A_95 = tpu.memref_slice %arg6[%mul3A_14, %dma_wait3A] : memref<10000x128xf32, #tpu.memory_space<vmem_shared>> -> memref<80x128xf32, #tpu.memory_space<vmem_shared>>
      %dma_wait3A_96 = arith.constant 0 : i32
      %dma_wait3A_97 = tpu.memref_slice %arg6[%mul3A_14, %dma_wait3A_96] : memref<10000x128xf32, #tpu.memory_space<vmem_shared>> -> memref<80x128xf32, #tpu.memory_space<vmem_shared>>
      tpu.wait_dma2 semaphore(%run_scoped3A : memref<!tpu.dma_semaphore, #tpu.memory_space<semaphore_mem>>) src(%arg9 : memref<80x128xf32, #tpu.memory_space<vmem>>) dst(%dma_wait3A_97 : memref<80x128xf32, #tpu.memory_space<vmem_shared>>)
      tpu.yield
    }) : () -> ()
    %add3A_15 = arith.constant 48 : i32
    %add3A_16 = arith.addi %arg1, %add3A_15 : i32
    %mul3A_17 = arith.constant 80 : i32
    %mul3A_18 = arith.muli %add3A_16, %mul3A_17 : i32
    "tpu.region"() ({
      %run_scoped3A = tpu.sem_alloc : memref<!tpu.dma_semaphore, #tpu.memory_space<semaphore_mem>>
      %dma_start3A = arith.constant 0 : i32
      %dma_start3A_92 = tpu.memref_slice %arg6[%mul3A_18, %dma_start3A] : memref<10000x128xf32, #tpu.memory_space<vmem_shared>> -> memref<80x128xf32, #tpu.memory_space<vmem_shared>>
      %dma_start3A_93 = arith.constant 0 : i32
      %dma_start3A_94 = tpu.memref_slice %arg6[%mul3A_18, %dma_start3A_93] : memref<10000x128xf32, #tpu.memory_space<vmem_shared>> -> memref<80x128xf32, #tpu.memory_space<vmem_shared>>
      tpu.enqueue_dma source(%arg9 : memref<80x128xf32, #tpu.memory_space<vmem>>) target(%dma_start3A_94 : memref<80x128xf32, #tpu.memory_space<vmem_shared>>) target_semaphore(%run_scoped3A : memref<!tpu.dma_semaphore, #tpu.memory_space<semaphore_mem>>)
      %dma_wait3A = arith.constant 0 : i32
      %dma_wait3A_95 = tpu.memref_slice %arg6[%mul3A_18, %dma_wait3A] : memref<10000x128xf32, #tpu.memory_space<vmem_shared>> -> memref<80x128xf32, #tpu.memory_space<vmem_shared>>
      %dma_wait3A_96 = arith.constant 0 : i32
      %dma_wait3A_97 = tpu.memref_slice %arg6[%mul3A_18, %dma_wait3A_96] : memref<10000x128xf32, #tpu.memory_space<vmem_shared>> -> memref<80x128xf32, #tpu.memory_space<vmem_shared>>
      tpu.wait_dma2 semaphore(%run_scoped3A : memref<!tpu.dma_semaphore, #tpu.memory_space<semaphore_mem>>) src(%arg9 : memref<80x128xf32, #tpu.memory_space<vmem>>) dst(%dma_wait3A_97 : memref<80x128xf32, #tpu.memory_space<vmem_shared>>)
      tpu.yield
    }) : () -> ()
    %add3A_19 = arith.constant 64 : i32
    %add3A_20 = arith.addi %arg1, %add3A_19 : i32
    %mul3A_21 = arith.constant 80 : i32
    %mul3A_22 = arith.muli %add3A_20, %mul3A_21 : i32
    "tpu.region"() ({
      %run_scoped3A = tpu.sem_alloc : memref<!tpu.dma_semaphore, #tpu.memory_space<semaphore_mem>>
      %dma_start3A = arith.constant 0 : i32
      %dma_start3A_92 = tpu.memref_slice %arg6[%mul3A_22, %dma_start3A] : memref<10000x128xf32, #tpu.memory_space<vmem_shared>> -> memref<80x128xf32, #tpu.memory_space<vmem_shared>>
      %dma_start3A_93 = arith.constant 0 : i32
      %dma_start3A_94 = tpu.memref_slice %arg6[%mul3A_22, %dma_start3A_93] : memref<10000x128xf32, #tpu.memory_space<vmem_shared>> -> memref<80x128xf32, #tpu.memory_space<vmem_shared>>
      tpu.enqueue_dma source(%arg9 : memref<80x128xf32, #tpu.memory_space<vmem>>) target(%dma_start3A_94 : memref<80x128xf32, #tpu.memory_space<vmem_shared>>) target_semaphore(%run_scoped3A : memref<!tpu.dma_semaphore, #tpu.memory_space<semaphore_mem>>)
      %dma_wait3A = arith.constant 0 : i32
      %dma_wait3A_95 = tpu.memref_slice %arg6[%mul3A_22, %dma_wait3A] : memref<10000x128xf32, #tpu.memory_space<vmem_shared>> -> memref<80x128xf32, #tpu.memory_space<vmem_shared>>
      %dma_wait3A_96 = arith.constant 0 : i32
      %dma_wait3A_97 = tpu.memref_slice %arg6[%mul3A_22, %dma_wait3A_96] : memref<10000x128xf32, #tpu.memory_space<vmem_shared>> -> memref<80x128xf32, #tpu.memory_space<vmem_shared>>
      tpu.wait_dma2 semaphore(%run_scoped3A : memref<!tpu.dma_semaphore, #tpu.memory_space<semaphore_mem>>) src(%arg9 : memref<80x128xf32, #tpu.memory_space<vmem>>) dst(%dma_wait3A_97 : memref<80x128xf32, #tpu.memory_space<vmem_shared>>)
      tpu.yield
    }) : () -> ()
    %add3A_23 = arith.constant 80 : i32
    %add3A_24 = arith.addi %arg1, %add3A_23 : i32
    %mul3A_25 = arith.constant 80 : i32
    %mul3A_26 = arith.muli %add3A_24, %mul3A_25 : i32
    "tpu.region"() ({
      %run_scoped3A = tpu.sem_alloc : memref<!tpu.dma_semaphore, #tpu.memory_space<semaphore_mem>>
      %dma_start3A = arith.constant 0 : i32
      %dma_start3A_92 = tpu.memref_slice %arg6[%mul3A_26, %dma_start3A] : memref<10000x128xf32, #tpu.memory_space<vmem_shared>> -> memref<80x128xf32, #tpu.memory_space<vmem_shared>>
      %dma_start3A_93 = arith.constant 0 : i32
      %dma_start3A_94 = tpu.memref_slice %arg6[%mul3A_26, %dma_start3A_93] : memref<10000x128xf32, #tpu.memory_space<vmem_shared>> -> memref<80x128xf32, #tpu.memory_space<vmem_shared>>
      tpu.enqueue_dma source(%arg9 : memref<80x128xf32, #tpu.memory_space<vmem>>) target(%dma_start3A_94 : memref<80x128xf32, #tpu.memory_space<vmem_shared>>) target_semaphore(%run_scoped3A : memref<!tpu.dma_semaphore, #tpu.memory_space<semaphore_mem>>)
      %dma_wait3A = arith.constant 0 : i32
      %dma_wait3A_95 = tpu.memref_slice %arg6[%mul3A_26, %dma_wait3A] : memref<10000x128xf32, #tpu.memory_space<vmem_shared>> -> memref<80x128xf32, #tpu.memory_space<vmem_shared>>
      %dma_wait3A_96 = arith.constant 0 : i32
      %dma_wait3A_97 = tpu.memref_slice %arg6[%mul3A_26, %dma_wait3A_96] : memref<10000x128xf32, #tpu.memory_space<vmem_shared>> -> memref<80x128xf32, #tpu.memory_space<vmem_shared>>
      tpu.wait_dma2 semaphore(%run_scoped3A : memref<!tpu.dma_semaphore, #tpu.memory_space<semaphore_mem>>) src(%arg9 : memref<80x128xf32, #tpu.memory_space<vmem>>) dst(%dma_wait3A_97 : memref<80x128xf32, #tpu.memory_space<vmem_shared>>)
      tpu.yield
    }) : () -> ()
    %add3A_27 = arith.constant 96 : i32
    %add3A_28 = arith.addi %arg1, %add3A_27 : i32
    %mul3A_29 = arith.constant 80 : i32
    %mul3A_30 = arith.muli %add3A_28, %mul3A_29 : i32
    "tpu.region"() ({
      %run_scoped3A = tpu.sem_alloc : memref<!tpu.dma_semaphore, #tpu.memory_space<semaphore_mem>>
      %dma_start3A = arith.constant 0 : i32
      %dma_start3A_92 = tpu.memref_slice %arg6[%mul3A_30, %dma_start3A] : memref<10000x128xf32, #tpu.memory_space<vmem_shared>> -> memref<80x128xf32, #tpu.memory_space<vmem_shared>>
      %dma_start3A_93 = arith.constant 0 : i32
      %dma_start3A_94 = tpu.memref_slice %arg6[%mul3A_30, %dma_start3A_93] : memref<10000x128xf32, #tpu.memory_space<vmem_shared>> -> memref<80x128xf32, #tpu.memory_space<vmem_shared>>
      tpu.enqueue_dma source(%arg9 : memref<80x128xf32, #tpu.memory_space<vmem>>) target(%dma_start3A_94 : memref<80x128xf32, #tpu.memory_space<vmem_shared>>) target_semaphore(%run_scoped3A : memref<!tpu.dma_semaphore, #tpu.memory_space<semaphore_mem>>)
      %dma_wait3A = arith.constant 0 : i32
      %dma_wait3A_95 = tpu.memref_slice %arg6[%mul3A_30, %dma_wait3A] : memref<10000x128xf32, #tpu.memory_space<vmem_shared>> -> memref<80x128xf32, #tpu.memory_space<vmem_shared>>
      %dma_wait3A_96 = arith.constant 0 : i32
      %dma_wait3A_97 = tpu.memref_slice %arg6[%mul3A_30, %dma_wait3A_96] : memref<10000x128xf32, #tpu.memory_space<vmem_shared>> -> memref<80x128xf32, #tpu.memory_space<vmem_shared>>
      tpu.wait_dma2 semaphore(%run_scoped3A : memref<!tpu.dma_semaphore, #tpu.memory_space<semaphore_mem>>) src(%arg9 : memref<80x128xf32, #tpu.memory_space<vmem>>) dst(%dma_wait3A_97 : memref<80x128xf32, #tpu.memory_space<vmem_shared>>)
      tpu.yield
    }) : () -> ()
    %rem3A = arith.constant 13 : i32
    %rem3A_31 = arith.remsi %arg1, %rem3A : i32
    %add3A_32 = arith.constant 112 : i32
    %add3A_33 = arith.addi %add3A_32, %rem3A_31 : i32
    %mul3A_34 = arith.constant 80 : i32
    %mul3A_35 = arith.muli %add3A_33, %mul3A_34 : i32
    "tpu.region"() ({
      %run_scoped3A = tpu.sem_alloc : memref<!tpu.dma_semaphore, #tpu.memory_space<semaphore_mem>>
      %dma_start3A = arith.constant 0 : i32
      %dma_start3A_92 = tpu.memref_slice %arg6[%mul3A_35, %dma_start3A] : memref<10000x128xf32, #tpu.memory_space<vmem_shared>> -> memref<80x128xf32, #tpu.memory_space<vmem_shared>>
      %dma_start3A_93 = arith.constant 0 : i32
      %dma_start3A_94 = tpu.memref_slice %arg6[%mul3A_35, %dma_start3A_93] : memref<10000x128xf32, #tpu.memory_space<vmem_shared>> -> memref<80x128xf32, #tpu.memory_space<vmem_shared>>
      tpu.enqueue_dma source(%arg9 : memref<80x128xf32, #tpu.memory_space<vmem>>) target(%dma_start3A_94 : memref<80x128xf32, #tpu.memory_space<vmem_shared>>) target_semaphore(%run_scoped3A : memref<!tpu.dma_semaphore, #tpu.memory_space<semaphore_mem>>)
      %dma_wait3A = arith.constant 0 : i32
      %dma_wait3A_95 = tpu.memref_slice %arg6[%mul3A_35, %dma_wait3A] : memref<10000x128xf32, #tpu.memory_space<vmem_shared>> -> memref<80x128xf32, #tpu.memory_space<vmem_shared>>
      %dma_wait3A_96 = arith.constant 0 : i32
      %dma_wait3A_97 = tpu.memref_slice %arg6[%mul3A_35, %dma_wait3A_96] : memref<10000x128xf32, #tpu.memory_space<vmem_shared>> -> memref<80x128xf32, #tpu.memory_space<vmem_shared>>
      tpu.wait_dma2 semaphore(%run_scoped3A : memref<!tpu.dma_semaphore, #tpu.memory_space<semaphore_mem>>) src(%arg9 : memref<80x128xf32, #tpu.memory_space<vmem>>) dst(%dma_wait3A_97 : memref<80x128xf32, #tpu.memory_space<vmem_shared>>)
      tpu.yield
    }) : () -> ()
    "tpu.region"() ({
      %run_scoped3A = tpu.sem_alloc : memref<!tpu.dma_semaphore, #tpu.memory_space<semaphore_mem>>
      tpu.enqueue_dma source(%arg3 : memref<80x128xf32, #tpu.memory_space<hbm>>) target(%arg8 : memref<80x128xf32, #tpu.memory_space<vmem>>) target_semaphore(%run_scoped3A : memref<!tpu.dma_semaphore, #tpu.memory_space<semaphore_mem>>)
      tpu.wait_dma2 semaphore(%run_scoped3A : memref<!tpu.dma_semaphore, #tpu.memory_space<semaphore_mem>>) src(%arg3 : memref<80x128xf32, #tpu.memory_space<hbm>>) dst(%arg8 : memref<80x128xf32, #tpu.memory_space<vmem>>)
      tpu.yield
    }) : () -> ()
    %barrier3A = arith.constant 0 : index
    tpu.barrier barrier_id(%barrier3A)
    %scan3A = arith.constant 0 : i32
    %scan3A_36 = arith.constant 0 : i32
    %scan3A_37 = arith.constant 125 : i32
    %scan3A_38 = arith.addi %scan3A_36, %scan3A_37 : i32
    %scan3A_39 = arith.constant 1 : i32
    scf.for %scan3A_92 = %scan3A_36 to %scan3A_38 step %scan3A_39  : i32 {
      %mul3A_93 = arith.constant 80 : i32
      %mul3A_94 = arith.muli %scan3A_92, %mul3A_93 : i32
      %add3A_95 = arith.addi %mul3A_2, %mul3A_94 : i32
      "tpu.region"() ({
        %run_scoped3A = tpu.sem_alloc : memref<!tpu.dma_semaphore, #tpu.memory_space<semaphore_mem>>
        %dma_start3A = tpu.memref_slice %arg2[%add3A_95] : memref<320000xi32, #tpu.memory_space<hbm>> -> memref<80xi32, #tpu.memory_space<hbm>>
        %dma_start3A_96 = tpu.memref_slice %arg2[%add3A_95] : memref<320000xi32, #tpu.memory_space<hbm>> -> memref<80xi32, #tpu.memory_space<hbm>>
        tpu.enqueue_dma source(%dma_start3A_96 : memref<80xi32, #tpu.memory_space<hbm>>) target(%arg7 : memref<80xi32, #tpu.memory_space<vmem>>) target_semaphore(%run_scoped3A : memref<!tpu.dma_semaphore, #tpu.memory_space<semaphore_mem>>)
        %dma_wait3A = tpu.memref_slice %arg2[%add3A_95] : memref<320000xi32, #tpu.memory_space<hbm>> -> memref<80xi32, #tpu.memory_space<hbm>>
        %dma_wait3A_97 = tpu.memref_slice %arg2[%add3A_95] : memref<320000xi32, #tpu.memory_space<hbm>> -> memref<80xi32, #tpu.memory_space<hbm>>
        tpu.wait_dma2 semaphore(%run_scoped3A : memref<!tpu.dma_semaphore, #tpu.memory_space<semaphore_mem>>) src(%dma_wait3A_97 : memref<80xi32, #tpu.memory_space<hbm>>) dst(%arg7 : memref<80xi32, #tpu.memory_space<vmem>>)
        tpu.yield
      }) : () -> ()
      "tpu.region"() ({
        %run_scoped3A = tpu.sem_alloc : memref<!tpu.dma_semaphore, #tpu.memory_space<semaphore_mem>>
        %dma_start3A = arith.constant 0 : i32
        %dma_start3A_96 = arith.constant 0 : i32
        %dma_start3A_97 = tpu.memref_slice %arg6[%dma_start3A, %dma_start3A_96] : memref<10000x128xf32, #tpu.memory_space<vmem_shared>> -> memref<10000x128xf32, #tpu.memory_space<vmem_shared>>
        tpu.enqueue_indirect_dma source(%arg8 : memref<80x128xf32, #tpu.memory_space<vmem>>) target(%dma_start3A_97 : memref<10000x128xf32, #tpu.memory_space<vmem_shared>>) offsets(%arg7 : memref<80xi32, #tpu.memory_space<vmem>>) semaphore(%run_scoped3A : memref<!tpu.dma_semaphore, #tpu.memory_space<semaphore_mem>>) {add = true}
        %dma_wait3A = arith.constant 0 : i32
        %dma_wait3A_98 = arith.constant 0 : i32
        %dma_wait3A_99 = tpu.memref_slice %arg6[%dma_wait3A, %dma_wait3A_98] : memref<10000x128xf32, #tpu.memory_space<vmem_shared>> -> memref<10000x128xf32, #tpu.memory_space<vmem_shared>>
        tpu.wait_indirect_dma semaphore(%run_scoped3A : memref<!tpu.dma_semaphore, #tpu.memory_space<semaphore_mem>>) src(%arg8 : memref<80x128xf32, #tpu.memory_space<vmem>>) dst(%dma_wait3A_99 : memref<10000x128xf32, #tpu.memory_space<vmem_shared>>)
        tpu.yield
      }) : () -> ()
    }
    %scan3A_40 = arith.constant 125 : i32
    %barrier3A_41 = arith.constant 0 : index
    tpu.barrier barrier_id(%barrier3A_41)
    %add3A_42 = arith.constant 0 : i32
    %add3A_43 = arith.addi %arg1, %add3A_42 : i32
    %mul3A_44 = arith.constant 80 : i32
    %mul3A_45 = arith.muli %add3A_43, %mul3A_44 : i32
    "tpu.region"() ({
      %run_scoped3A = tpu.sem_alloc : memref<!tpu.dma_semaphore, #tpu.memory_space<semaphore_mem>>
      %dma_start3A = arith.constant 0 : i32
      %dma_start3A_92 = tpu.memref_slice %arg6[%mul3A_45, %dma_start3A] : memref<10000x128xf32, #tpu.memory_space<vmem_shared>> -> memref<80x128xf32, #tpu.memory_space<vmem_shared>>
      %dma_start3A_93 = arith.constant 0 : i32
      %dma_start3A_94 = tpu.memref_slice %arg6[%mul3A_45, %dma_start3A_93] : memref<10000x128xf32, #tpu.memory_space<vmem_shared>> -> memref<80x128xf32, #tpu.memory_space<vmem_shared>>
      tpu.enqueue_dma source(%dma_start3A_94 : memref<80x128xf32, #tpu.memory_space<vmem_shared>>) target(%arg9 : memref<80x128xf32, #tpu.memory_space<vmem>>) target_semaphore(%run_scoped3A : memref<!tpu.dma_semaphore, #tpu.memory_space<semaphore_mem>>)
      %dma_wait3A = arith.constant 0 : i32
      %dma_wait3A_95 = tpu.memref_slice %arg6[%mul3A_45, %dma_wait3A] : memref<10000x128xf32, #tpu.memory_space<vmem_shared>> -> memref<80x128xf32, #tpu.memory_space<vmem_shared>>
      %dma_wait3A_96 = arith.constant 0 : i32
      %dma_wait3A_97 = tpu.memref_slice %arg6[%mul3A_45, %dma_wait3A_96] : memref<10000x128xf32, #tpu.memory_space<vmem_shared>> -> memref<80x128xf32, #tpu.memory_space<vmem_shared>>
      tpu.wait_dma2 semaphore(%run_scoped3A : memref<!tpu.dma_semaphore, #tpu.memory_space<semaphore_mem>>) src(%dma_wait3A_97 : memref<80x128xf32, #tpu.memory_space<vmem_shared>>) dst(%arg9 : memref<80x128xf32, #tpu.memory_space<vmem>>)
      tpu.yield
    }) : () -> ()
    %mul3A_46 = arith.constant 80 : i32
    %mul3A_47 = arith.muli %add3A_43, %mul3A_46 : i32
    "tpu.region"() ({
      %run_scoped3A = tpu.sem_alloc : memref<!tpu.dma_semaphore, #tpu.memory_space<semaphore_mem>>
      %dma_start3A = arith.constant 0 : i32
      %dma_start3A_92 = tpu.memref_slice %arg5[%arg0, %mul3A_47, %dma_start3A] : memref<2x10000x128xf32, #tpu.memory_space<hbm>> -> memref<1x80x128xf32, #tpu.memory_space<hbm>>
      %dma_start3A_93 = tpu.memref_squeeze %dma_start3A_92 : memref<1x80x128xf32, #tpu.memory_space<hbm>> -> memref<80x128xf32, #tpu.memory_space<hbm>>
      %dma_start3A_94 = arith.constant 0 : i32
      %dma_start3A_95 = tpu.memref_slice %arg5[%arg0, %mul3A_47, %dma_start3A_94] : memref<2x10000x128xf32, #tpu.memory_space<hbm>> -> memref<1x80x128xf32, #tpu.memory_space<hbm>>
      %dma_start3A_96 = tpu.memref_squeeze %dma_start3A_95 : memref<1x80x128xf32, #tpu.memory_space<hbm>> -> memref<80x128xf32, #tpu.memory_space<hbm>>
      tpu.enqueue_dma source(%arg9 : memref<80x128xf32, #tpu.memory_space<vmem>>) target(%dma_start3A_96 : memref<80x128xf32, #tpu.memory_space<hbm>>) target_semaphore(%run_scoped3A : memref<!tpu.dma_semaphore, #tpu.memory_space<semaphore_mem>>)
      %dma_wait3A = arith.constant 0 : i32
      %dma_wait3A_97 = tpu.memref_slice %arg5[%arg0, %mul3A_47, %dma_wait3A] : memref<2x10000x128xf32, #tpu.memory_space<hbm>> -> memref<1x80x128xf32, #tpu.memory_space<hbm>>
      %dma_wait3A_98 = tpu.memref_squeeze %dma_wait3A_97 : memref<1x80x128xf32, #tpu.memory_space<hbm>> -> memref<80x128xf32, #tpu.memory_space<hbm>>
      %dma_wait3A_99 = arith.constant 0 : i32
      %dma_wait3A_100 = tpu.memref_slice %arg5[%arg0, %mul3A_47, %dma_wait3A_99] : memref<2x10000x128xf32, #tpu.memory_space<hbm>> -> memref<1x80x128xf32, #tpu.memory_space<hbm>>
      %dma_wait3A_101 = tpu.memref_squeeze %dma_wait3A_100 : memref<1x80x128xf32, #tpu.memory_space<hbm>> -> memref<80x128xf32, #tpu.memory_space<hbm>>
      tpu.wait_dma2 semaphore(%run_scoped3A : memref<!tpu.dma_semaphore, #tpu.memory_space<semaphore_mem>>) src(%arg9 : memref<80x128xf32, #tpu.memory_space<vmem>>) dst(%dma_wait3A_101 : memref<80x128xf32, #tpu.memory_space<hbm>>)
      tpu.yield
    }) : () -> ()
    %add3A_48 = arith.constant 16 : i32
    %add3A_49 = arith.addi %arg1, %add3A_48 : i32
    %mul3A_50 = arith.constant 80 : i32
    %mul3A_51 = arith.muli %add3A_49, %mul3A_50 : i32
    "tpu.region"() ({
      %run_scoped3A = tpu.sem_alloc : memref<!tpu.dma_semaphore, #tpu.memory_space<semaphore_mem>>
      %dma_start3A = arith.constant 0 : i32
      %dma_start3A_92 = tpu.memref_slice %arg6[%mul3A_51, %dma_start3A] : memref<10000x128xf32, #tpu.memory_space<vmem_shared>> -> memref<80x128xf32, #tpu.memory_space<vmem_shared>>
      %dma_start3A_93 = arith.constant 0 : i32
      %dma_start3A_94 = tpu.memref_slice %arg6[%mul3A_51, %dma_start3A_93] : memref<10000x128xf32, #tpu.memory_space<vmem_shared>> -> memref<80x128xf32, #tpu.memory_space<vmem_shared>>
      tpu.enqueue_dma source(%dma_start3A_94 : memref<80x128xf32, #tpu.memory_space<vmem_shared>>) target(%arg9 : memref<80x128xf32, #tpu.memory_space<vmem>>) target_semaphore(%run_scoped3A : memref<!tpu.dma_semaphore, #tpu.memory_space<semaphore_mem>>)
      %dma_wait3A = arith.constant 0 : i32
      %dma_wait3A_95 = tpu.memref_slice %arg6[%mul3A_51, %dma_wait3A] : memref<10000x128xf32, #tpu.memory_space<vmem_shared>> -> memref<80x128xf32, #tpu.memory_space<vmem_shared>>
      %dma_wait3A_96 = arith.constant 0 : i32
      %dma_wait3A_97 = tpu.memref_slice %arg6[%mul3A_51, %dma_wait3A_96] : memref<10000x128xf32, #tpu.memory_space<vmem_shared>> -> memref<80x128xf32, #tpu.memory_space<vmem_shared>>
      tpu.wait_dma2 semaphore(%run_scoped3A : memref<!tpu.dma_semaphore, #tpu.memory_space<semaphore_mem>>) src(%dma_wait3A_97 : memref<80x128xf32, #tpu.memory_space<vmem_shared>>) dst(%arg9 : memref<80x128xf32, #tpu.memory_space<vmem>>)
      tpu.yield
    }) : () -> ()
    %mul3A_52 = arith.constant 80 : i32
    %mul3A_53 = arith.muli %add3A_49, %mul3A_52 : i32
    "tpu.region"() ({
      %run_scoped3A = tpu.sem_alloc : memref<!tpu.dma_semaphore, #tpu.memory_space<semaphore_mem>>
      %dma_start3A = arith.constant 0 : i32
      %dma_start3A_92 = tpu.memref_slice %arg5[%arg0, %mul3A_53, %dma_start3A] : memref<2x10000x128xf32, #tpu.memory_space<hbm>> -> memref<1x80x128xf32, #tpu.memory_space<hbm>>
      %dma_start3A_93 = tpu.memref_squeeze %dma_start3A_92 : memref<1x80x128xf32, #tpu.memory_space<hbm>> -> memref<80x128xf32, #tpu.memory_space<hbm>>
      %dma_start3A_94 = arith.constant 0 : i32
      %dma_start3A_95 = tpu.memref_slice %arg5[%arg0, %mul3A_53, %dma_start3A_94] : memref<2x10000x128xf32, #tpu.memory_space<hbm>> -> memref<1x80x128xf32, #tpu.memory_space<hbm>>
      %dma_start3A_96 = tpu.memref_squeeze %dma_start3A_95 : memref<1x80x128xf32, #tpu.memory_space<hbm>> -> memref<80x128xf32, #tpu.memory_space<hbm>>
      tpu.enqueue_dma source(%arg9 : memref<80x128xf32, #tpu.memory_space<vmem>>) target(%dma_start3A_96 : memref<80x128xf32, #tpu.memory_space<hbm>>) target_semaphore(%run_scoped3A : memref<!tpu.dma_semaphore, #tpu.memory_space<semaphore_mem>>)
      %dma_wait3A = arith.constant 0 : i32
      %dma_wait3A_97 = tpu.memref_slice %arg5[%arg0, %mul3A_53, %dma_wait3A] : memref<2x10000x128xf32, #tpu.memory_space<hbm>> -> memref<1x80x128xf32, #tpu.memory_space<hbm>>
      %dma_wait3A_98 = tpu.memref_squeeze %dma_wait3A_97 : memref<1x80x128xf32, #tpu.memory_space<hbm>> -> memref<80x128xf32, #tpu.memory_space<hbm>>
      %dma_wait3A_99 = arith.constant 0 : i32
      %dma_wait3A_100 = tpu.memref_slice %arg5[%arg0, %mul3A_53, %dma_wait3A_99] : memref<2x10000x128xf32, #tpu.memory_space<hbm>> -> memref<1x80x128xf32, #tpu.memory_space<hbm>>
      %dma_wait3A_101 = tpu.memref_squeeze %dma_wait3A_100 : memref<1x80x128xf32, #tpu.memory_space<hbm>> -> memref<80x128xf32, #tpu.memory_space<hbm>>
      tpu.wait_dma2 semaphore(%run_scoped3A : memref<!tpu.dma_semaphore, #tpu.memory_space<semaphore_mem>>) src(%arg9 : memref<80x128xf32, #tpu.memory_space<vmem>>) dst(%dma_wait3A_101 : memref<80x128xf32, #tpu.memory_space<hbm>>)
      tpu.yield
    }) : () -> ()
    %add3A_54 = arith.constant 32 : i32
    %add3A_55 = arith.addi %arg1, %add3A_54 : i32
    %mul3A_56 = arith.constant 80 : i32
    %mul3A_57 = arith.muli %add3A_55, %mul3A_56 : i32
    "tpu.region"() ({
      %run_scoped3A = tpu.sem_alloc : memref<!tpu.dma_semaphore, #tpu.memory_space<semaphore_mem>>
      %dma_start3A = arith.constant 0 : i32
      %dma_start3A_92 = tpu.memref_slice %arg6[%mul3A_57, %dma_start3A] : memref<10000x128xf32, #tpu.memory_space<vmem_shared>> -> memref<80x128xf32, #tpu.memory_space<vmem_shared>>
      %dma_start3A_93 = arith.constant 0 : i32
      %dma_start3A_94 = tpu.memref_slice %arg6[%mul3A_57, %dma_start3A_93] : memref<10000x128xf32, #tpu.memory_space<vmem_shared>> -> memref<80x128xf32, #tpu.memory_space<vmem_shared>>
      tpu.enqueue_dma source(%dma_start3A_94 : memref<80x128xf32, #tpu.memory_space<vmem_shared>>) target(%arg9 : memref<80x128xf32, #tpu.memory_space<vmem>>) target_semaphore(%run_scoped3A : memref<!tpu.dma_semaphore, #tpu.memory_space<semaphore_mem>>)
      %dma_wait3A = arith.constant 0 : i32
      %dma_wait3A_95 = tpu.memref_slice %arg6[%mul3A_57, %dma_wait3A] : memref<10000x128xf32, #tpu.memory_space<vmem_shared>> -> memref<80x128xf32, #tpu.memory_space<vmem_shared>>
      %dma_wait3A_96 = arith.constant 0 : i32
      %dma_wait3A_97 = tpu.memref_slice %arg6[%mul3A_57, %dma_wait3A_96] : memref<10000x128xf32, #tpu.memory_space<vmem_shared>> -> memref<80x128xf32, #tpu.memory_space<vmem_shared>>
      tpu.wait_dma2 semaphore(%run_scoped3A : memref<!tpu.dma_semaphore, #tpu.memory_space<semaphore_mem>>) src(%dma_wait3A_97 : memref<80x128xf32, #tpu.memory_space<vmem_shared>>) dst(%arg9 : memref<80x128xf32, #tpu.memory_space<vmem>>)
      tpu.yield
    }) : () -> ()
    %mul3A_58 = arith.constant 80 : i32
    %mul3A_59 = arith.muli %add3A_55, %mul3A_58 : i32
    "tpu.region"() ({
      %run_scoped3A = tpu.sem_alloc : memref<!tpu.dma_semaphore, #tpu.memory_space<semaphore_mem>>
      %dma_start3A = arith.constant 0 : i32
      %dma_start3A_92 = tpu.memref_slice %arg5[%arg0, %mul3A_59, %dma_start3A] : memref<2x10000x128xf32, #tpu.memory_space<hbm>> -> memref<1x80x128xf32, #tpu.memory_space<hbm>>
      %dma_start3A_93 = tpu.memref_squeeze %dma_start3A_92 : memref<1x80x128xf32, #tpu.memory_space<hbm>> -> memref<80x128xf32, #tpu.memory_space<hbm>>
      %dma_start3A_94 = arith.constant 0 : i32
      %dma_start3A_95 = tpu.memref_slice %arg5[%arg0, %mul3A_59, %dma_start3A_94] : memref<2x10000x128xf32, #tpu.memory_space<hbm>> -> memref<1x80x128xf32, #tpu.memory_space<hbm>>
      %dma_start3A_96 = tpu.memref_squeeze %dma_start3A_95 : memref<1x80x128xf32, #tpu.memory_space<hbm>> -> memref<80x128xf32, #tpu.memory_space<hbm>>
      tpu.enqueue_dma source(%arg9 : memref<80x128xf32, #tpu.memory_space<vmem>>) target(%dma_start3A_96 : memref<80x128xf32, #tpu.memory_space<hbm>>) target_semaphore(%run_scoped3A : memref<!tpu.dma_semaphore, #tpu.memory_space<semaphore_mem>>)
      %dma_wait3A = arith.constant 0 : i32
      %dma_wait3A_97 = tpu.memref_slice %arg5[%arg0, %mul3A_59, %dma_wait3A] : memref<2x10000x128xf32, #tpu.memory_space<hbm>> -> memref<1x80x128xf32, #tpu.memory_space<hbm>>
      %dma_wait3A_98 = tpu.memref_squeeze %dma_wait3A_97 : memref<1x80x128xf32, #tpu.memory_space<hbm>> -> memref<80x128xf32, #tpu.memory_space<hbm>>
      %dma_wait3A_99 = arith.constant 0 : i32
      %dma_wait3A_100 = tpu.memref_slice %arg5[%arg0, %mul3A_59, %dma_wait3A_99] : memref<2x10000x128xf32, #tpu.memory_space<hbm>> -> memref<1x80x128xf32, #tpu.memory_space<hbm>>
      %dma_wait3A_101 = tpu.memref_squeeze %dma_wait3A_100 : memref<1x80x128xf32, #tpu.memory_space<hbm>> -> memref<80x128xf32, #tpu.memory_space<hbm>>
      tpu.wait_dma2 semaphore(%run_scoped3A : memref<!tpu.dma_semaphore, #tpu.memory_space<semaphore_mem>>) src(%arg9 : memref<80x128xf32, #tpu.memory_space<vmem>>) dst(%dma_wait3A_101 : memref<80x128xf32, #tpu.memory_space<hbm>>)
      tpu.yield
    }) : () -> ()
    %add3A_60 = arith.constant 48 : i32
    %add3A_61 = arith.addi %arg1, %add3A_60 : i32
    %mul3A_62 = arith.constant 80 : i32
    %mul3A_63 = arith.muli %add3A_61, %mul3A_62 : i32
    "tpu.region"() ({
      %run_scoped3A = tpu.sem_alloc : memref<!tpu.dma_semaphore, #tpu.memory_space<semaphore_mem>>
      %dma_start3A = arith.constant 0 : i32
      %dma_start3A_92 = tpu.memref_slice %arg6[%mul3A_63, %dma_start3A] : memref<10000x128xf32, #tpu.memory_space<vmem_shared>> -> memref<80x128xf32, #tpu.memory_space<vmem_shared>>
      %dma_start3A_93 = arith.constant 0 : i32
      %dma_start3A_94 = tpu.memref_slice %arg6[%mul3A_63, %dma_start3A_93] : memref<10000x128xf32, #tpu.memory_space<vmem_shared>> -> memref<80x128xf32, #tpu.memory_space<vmem_shared>>
      tpu.enqueue_dma source(%dma_start3A_94 : memref<80x128xf32, #tpu.memory_space<vmem_shared>>) target(%arg9 : memref<80x128xf32, #tpu.memory_space<vmem>>) target_semaphore(%run_scoped3A : memref<!tpu.dma_semaphore, #tpu.memory_space<semaphore_mem>>)
      %dma_wait3A = arith.constant 0 : i32
      %dma_wait3A_95 = tpu.memref_slice %arg6[%mul3A_63, %dma_wait3A] : memref<10000x128xf32, #tpu.memory_space<vmem_shared>> -> memref<80x128xf32, #tpu.memory_space<vmem_shared>>
      %dma_wait3A_96 = arith.constant 0 : i32
      %dma_wait3A_97 = tpu.memref_slice %arg6[%mul3A_63, %dma_wait3A_96] : memref<10000x128xf32, #tpu.memory_space<vmem_shared>> -> memref<80x128xf32, #tpu.memory_space<vmem_shared>>
      tpu.wait_dma2 semaphore(%run_scoped3A : memref<!tpu.dma_semaphore, #tpu.memory_space<semaphore_mem>>) src(%dma_wait3A_97 : memref<80x128xf32, #tpu.memory_space<vmem_shared>>) dst(%arg9 : memref<80x128xf32, #tpu.memory_space<vmem>>)
      tpu.yield
    }) : () -> ()
    %mul3A_64 = arith.constant 80 : i32
    %mul3A_65 = arith.muli %add3A_61, %mul3A_64 : i32
    "tpu.region"() ({
      %run_scoped3A = tpu.sem_alloc : memref<!tpu.dma_semaphore, #tpu.memory_space<semaphore_mem>>
      %dma_start3A = arith.constant 0 : i32
      %dma_start3A_92 = tpu.memref_slice %arg5[%arg0, %mul3A_65, %dma_start3A] : memref<2x10000x128xf32, #tpu.memory_space<hbm>> -> memref<1x80x128xf32, #tpu.memory_space<hbm>>
      %dma_start3A_93 = tpu.memref_squeeze %dma_start3A_92 : memref<1x80x128xf32, #tpu.memory_space<hbm>> -> memref<80x128xf32, #tpu.memory_space<hbm>>
      %dma_start3A_94 = arith.constant 0 : i32
      %dma_start3A_95 = tpu.memref_slice %arg5[%arg0, %mul3A_65, %dma_start3A_94] : memref<2x10000x128xf32, #tpu.memory_space<hbm>> -> memref<1x80x128xf32, #tpu.memory_space<hbm>>
      %dma_start3A_96 = tpu.memref_squeeze %dma_start3A_95 : memref<1x80x128xf32, #tpu.memory_space<hbm>> -> memref<80x128xf32, #tpu.memory_space<hbm>>
      tpu.enqueue_dma source(%arg9 : memref<80x128xf32, #tpu.memory_space<vmem>>) target(%dma_start3A_96 : memref<80x128xf32, #tpu.memory_space<hbm>>) target_semaphore(%run_scoped3A : memref<!tpu.dma_semaphore, #tpu.memory_space<semaphore_mem>>)
      %dma_wait3A = arith.constant 0 : i32
      %dma_wait3A_97 = tpu.memref_slice %arg5[%arg0, %mul3A_65, %dma_wait3A] : memref<2x10000x128xf32, #tpu.memory_space<hbm>> -> memref<1x80x128xf32, #tpu.memory_space<hbm>>
      %dma_wait3A_98 = tpu.memref_squeeze %dma_wait3A_97 : memref<1x80x128xf32, #tpu.memory_space<hbm>> -> memref<80x128xf32, #tpu.memory_space<hbm>>
      %dma_wait3A_99 = arith.constant 0 : i32
      %dma_wait3A_100 = tpu.memref_slice %arg5[%arg0, %mul3A_65, %dma_wait3A_99] : memref<2x10000x128xf32, #tpu.memory_space<hbm>> -> memref<1x80x128xf32, #tpu.memory_space<hbm>>
      %dma_wait3A_101 = tpu.memref_squeeze %dma_wait3A_100 : memref<1x80x128xf32, #tpu.memory_space<hbm>> -> memref<80x128xf32, #tpu.memory_space<hbm>>
      tpu.wait_dma2 semaphore(%run_scoped3A : memref<!tpu.dma_semaphore, #tpu.memory_space<semaphore_mem>>) src(%arg9 : memref<80x128xf32, #tpu.memory_space<vmem>>) dst(%dma_wait3A_101 : memref<80x128xf32, #tpu.memory_space<hbm>>)
      tpu.yield
    }) : () -> ()
    %add3A_66 = arith.constant 64 : i32
    %add3A_67 = arith.addi %arg1, %add3A_66 : i32
    %mul3A_68 = arith.constant 80 : i32
    %mul3A_69 = arith.muli %add3A_67, %mul3A_68 : i32
    "tpu.region"() ({
      %run_scoped3A = tpu.sem_alloc : memref<!tpu.dma_semaphore, #tpu.memory_space<semaphore_mem>>
      %dma_start3A = arith.constant 0 : i32
      %dma_start3A_92 = tpu.memref_slice %arg6[%mul3A_69, %dma_start3A] : memref<10000x128xf32, #tpu.memory_space<vmem_shared>> -> memref<80x128xf32, #tpu.memory_space<vmem_shared>>
      %dma_start3A_93 = arith.constant 0 : i32
      %dma_start3A_94 = tpu.memref_slice %arg6[%mul3A_69, %dma_start3A_93] : memref<10000x128xf32, #tpu.memory_space<vmem_shared>> -> memref<80x128xf32, #tpu.memory_space<vmem_shared>>
      tpu.enqueue_dma source(%dma_start3A_94 : memref<80x128xf32, #tpu.memory_space<vmem_shared>>) target(%arg9 : memref<80x128xf32, #tpu.memory_space<vmem>>) target_semaphore(%run_scoped3A : memref<!tpu.dma_semaphore, #tpu.memory_space<semaphore_mem>>)
      %dma_wait3A = arith.constant 0 : i32
      %dma_wait3A_95 = tpu.memref_slice %arg6[%mul3A_69, %dma_wait3A] : memref<10000x128xf32, #tpu.memory_space<vmem_shared>> -> memref<80x128xf32, #tpu.memory_space<vmem_shared>>
      %dma_wait3A_96 = arith.constant 0 : i32
      %dma_wait3A_97 = tpu.memref_slice %arg6[%mul3A_69, %dma_wait3A_96] : memref<10000x128xf32, #tpu.memory_space<vmem_shared>> -> memref<80x128xf32, #tpu.memory_space<vmem_shared>>
      tpu.wait_dma2 semaphore(%run_scoped3A : memref<!tpu.dma_semaphore, #tpu.memory_space<semaphore_mem>>) src(%dma_wait3A_97 : memref<80x128xf32, #tpu.memory_space<vmem_shared>>) dst(%arg9 : memref<80x128xf32, #tpu.memory_space<vmem>>)
      tpu.yield
    }) : () -> ()
    %mul3A_70 = arith.constant 80 : i32
    %mul3A_71 = arith.muli %add3A_67, %mul3A_70 : i32
    "tpu.region"() ({
      %run_scoped3A = tpu.sem_alloc : memref<!tpu.dma_semaphore, #tpu.memory_space<semaphore_mem>>
      %dma_start3A = arith.constant 0 : i32
      %dma_start3A_92 = tpu.memref_slice %arg5[%arg0, %mul3A_71, %dma_start3A] : memref<2x10000x128xf32, #tpu.memory_space<hbm>> -> memref<1x80x128xf32, #tpu.memory_space<hbm>>
      %dma_start3A_93 = tpu.memref_squeeze %dma_start3A_92 : memref<1x80x128xf32, #tpu.memory_space<hbm>> -> memref<80x128xf32, #tpu.memory_space<hbm>>
      %dma_start3A_94 = arith.constant 0 : i32
      %dma_start3A_95 = tpu.memref_slice %arg5[%arg0, %mul3A_71, %dma_start3A_94] : memref<2x10000x128xf32, #tpu.memory_space<hbm>> -> memref<1x80x128xf32, #tpu.memory_space<hbm>>
      %dma_start3A_96 = tpu.memref_squeeze %dma_start3A_95 : memref<1x80x128xf32, #tpu.memory_space<hbm>> -> memref<80x128xf32, #tpu.memory_space<hbm>>
      tpu.enqueue_dma source(%arg9 : memref<80x128xf32, #tpu.memory_space<vmem>>) target(%dma_start3A_96 : memref<80x128xf32, #tpu.memory_space<hbm>>) target_semaphore(%run_scoped3A : memref<!tpu.dma_semaphore, #tpu.memory_space<semaphore_mem>>)
      %dma_wait3A = arith.constant 0 : i32
      %dma_wait3A_97 = tpu.memref_slice %arg5[%arg0, %mul3A_71, %dma_wait3A] : memref<2x10000x128xf32, #tpu.memory_space<hbm>> -> memref<1x80x128xf32, #tpu.memory_space<hbm>>
      %dma_wait3A_98 = tpu.memref_squeeze %dma_wait3A_97 : memref<1x80x128xf32, #tpu.memory_space<hbm>> -> memref<80x128xf32, #tpu.memory_space<hbm>>
      %dma_wait3A_99 = arith.constant 0 : i32
      %dma_wait3A_100 = tpu.memref_slice %arg5[%arg0, %mul3A_71, %dma_wait3A_99] : memref<2x10000x128xf32, #tpu.memory_space<hbm>> -> memref<1x80x128xf32, #tpu.memory_space<hbm>>
      %dma_wait3A_101 = tpu.memref_squeeze %dma_wait3A_100 : memref<1x80x128xf32, #tpu.memory_space<hbm>> -> memref<80x128xf32, #tpu.memory_space<hbm>>
      tpu.wait_dma2 semaphore(%run_scoped3A : memref<!tpu.dma_semaphore, #tpu.memory_space<semaphore_mem>>) src(%arg9 : memref<80x128xf32, #tpu.memory_space<vmem>>) dst(%dma_wait3A_101 : memref<80x128xf32, #tpu.memory_space<hbm>>)
      tpu.yield
    }) : () -> ()
    %add3A_72 = arith.constant 80 : i32
    %add3A_73 = arith.addi %arg1, %add3A_72 : i32
    %mul3A_74 = arith.constant 80 : i32
    %mul3A_75 = arith.muli %add3A_73, %mul3A_74 : i32
    "tpu.region"() ({
      %run_scoped3A = tpu.sem_alloc : memref<!tpu.dma_semaphore, #tpu.memory_space<semaphore_mem>>
      %dma_start3A = arith.constant 0 : i32
      %dma_start3A_92 = tpu.memref_slice %arg6[%mul3A_75, %dma_start3A] : memref<10000x128xf32, #tpu.memory_space<vmem_shared>> -> memref<80x128xf32, #tpu.memory_space<vmem_shared>>
      %dma_start3A_93 = arith.constant 0 : i32
      %dma_start3A_94 = tpu.memref_slice %arg6[%mul3A_75, %dma_start3A_93] : memref<10000x128xf32, #tpu.memory_space<vmem_shared>> -> memref<80x128xf32, #tpu.memory_space<vmem_shared>>
      tpu.enqueue_dma source(%dma_start3A_94 : memref<80x128xf32, #tpu.memory_space<vmem_shared>>) target(%arg9 : memref<80x128xf32, #tpu.memory_space<vmem>>) target_semaphore(%run_scoped3A : memref<!tpu.dma_semaphore, #tpu.memory_space<semaphore_mem>>)
      %dma_wait3A = arith.constant 0 : i32
      %dma_wait3A_95 = tpu.memref_slice %arg6[%mul3A_75, %dma_wait3A] : memref<10000x128xf32, #tpu.memory_space<vmem_shared>> -> memref<80x128xf32, #tpu.memory_space<vmem_shared>>
      %dma_wait3A_96 = arith.constant 0 : i32
      %dma_wait3A_97 = tpu.memref_slice %arg6[%mul3A_75, %dma_wait3A_96] : memref<10000x128xf32, #tpu.memory_space<vmem_shared>> -> memref<80x128xf32, #tpu.memory_space<vmem_shared>>
      tpu.wait_dma2 semaphore(%run_scoped3A : memref<!tpu.dma_semaphore, #tpu.memory_space<semaphore_mem>>) src(%dma_wait3A_97 : memref<80x128xf32, #tpu.memory_space<vmem_shared>>) dst(%arg9 : memref<80x128xf32, #tpu.memory_space<vmem>>)
      tpu.yield
    }) : () -> ()
    %mul3A_76 = arith.constant 80 : i32
    %mul3A_77 = arith.muli %add3A_73, %mul3A_76 : i32
    "tpu.region"() ({
      %run_scoped3A = tpu.sem_alloc : memref<!tpu.dma_semaphore, #tpu.memory_space<semaphore_mem>>
      %dma_start3A = arith.constant 0 : i32
      %dma_start3A_92 = tpu.memref_slice %arg5[%arg0, %mul3A_77, %dma_start3A] : memref<2x10000x128xf32, #tpu.memory_space<hbm>> -> memref<1x80x128xf32, #tpu.memory_space<hbm>>
      %dma_start3A_93 = tpu.memref_squeeze %dma_start3A_92 : memref<1x80x128xf32, #tpu.memory_space<hbm>> -> memref<80x128xf32, #tpu.memory_space<hbm>>
      %dma_start3A_94 = arith.constant 0 : i32
      %dma_start3A_95 = tpu.memref_slice %arg5[%arg0, %mul3A_77, %dma_start3A_94] : memref<2x10000x128xf32, #tpu.memory_space<hbm>> -> memref<1x80x128xf32, #tpu.memory_space<hbm>>
      %dma_start3A_96 = tpu.memref_squeeze %dma_start3A_95 : memref<1x80x128xf32, #tpu.memory_space<hbm>> -> memref<80x128xf32, #tpu.memory_space<hbm>>
      tpu.enqueue_dma source(%arg9 : memref<80x128xf32, #tpu.memory_space<vmem>>) target(%dma_start3A_96 : memref<80x128xf32, #tpu.memory_space<hbm>>) target_semaphore(%run_scoped3A : memref<!tpu.dma_semaphore, #tpu.memory_space<semaphore_mem>>)
      %dma_wait3A = arith.constant 0 : i32
      %dma_wait3A_97 = tpu.memref_slice %arg5[%arg0, %mul3A_77, %dma_wait3A] : memref<2x10000x128xf32, #tpu.memory_space<hbm>> -> memref<1x80x128xf32, #tpu.memory_space<hbm>>
      %dma_wait3A_98 = tpu.memref_squeeze %dma_wait3A_97 : memref<1x80x128xf32, #tpu.memory_space<hbm>> -> memref<80x128xf32, #tpu.memory_space<hbm>>
      %dma_wait3A_99 = arith.constant 0 : i32
      %dma_wait3A_100 = tpu.memref_slice %arg5[%arg0, %mul3A_77, %dma_wait3A_99] : memref<2x10000x128xf32, #tpu.memory_space<hbm>> -> memref<1x80x128xf32, #tpu.memory_space<hbm>>
      %dma_wait3A_101 = tpu.memref_squeeze %dma_wait3A_100 : memref<1x80x128xf32, #tpu.memory_space<hbm>> -> memref<80x128xf32, #tpu.memory_space<hbm>>
      tpu.wait_dma2 semaphore(%run_scoped3A : memref<!tpu.dma_semaphore, #tpu.memory_space<semaphore_mem>>) src(%arg9 : memref<80x128xf32, #tpu.memory_space<vmem>>) dst(%dma_wait3A_101 : memref<80x128xf32, #tpu.memory_space<hbm>>)
      tpu.yield
    }) : () -> ()
    %add3A_78 = arith.constant 96 : i32
    %add3A_79 = arith.addi %arg1, %add3A_78 : i32
    %mul3A_80 = arith.constant 80 : i32
    %mul3A_81 = arith.muli %add3A_79, %mul3A_80 : i32
    "tpu.region"() ({
      %run_scoped3A = tpu.sem_alloc : memref<!tpu.dma_semaphore, #tpu.memory_space<semaphore_mem>>
      %dma_start3A = arith.constant 0 : i32
      %dma_start3A_92 = tpu.memref_slice %arg6[%mul3A_81, %dma_start3A] : memref<10000x128xf32, #tpu.memory_space<vmem_shared>> -> memref<80x128xf32, #tpu.memory_space<vmem_shared>>
      %dma_start3A_93 = arith.constant 0 : i32
      %dma_start3A_94 = tpu.memref_slice %arg6[%mul3A_81, %dma_start3A_93] : memref<10000x128xf32, #tpu.memory_space<vmem_shared>> -> memref<80x128xf32, #tpu.memory_space<vmem_shared>>
      tpu.enqueue_dma source(%dma_start3A_94 : memref<80x128xf32, #tpu.memory_space<vmem_shared>>) target(%arg9 : memref<80x128xf32, #tpu.memory_space<vmem>>) target_semaphore(%run_scoped3A : memref<!tpu.dma_semaphore, #tpu.memory_space<semaphore_mem>>)
      %dma_wait3A = arith.constant 0 : i32
      %dma_wait3A_95 = tpu.memref_slice %arg6[%mul3A_81, %dma_wait3A] : memref<10000x128xf32, #tpu.memory_space<vmem_shared>> -> memref<80x128xf32, #tpu.memory_space<vmem_shared>>
      %dma_wait3A_96 = arith.constant 0 : i32
      %dma_wait3A_97 = tpu.memref_slice %arg6[%mul3A_81, %dma_wait3A_96] : memref<10000x128xf32, #tpu.memory_space<vmem_shared>> -> memref<80x128xf32, #tpu.memory_space<vmem_shared>>
      tpu.wait_dma2 semaphore(%run_scoped3A : memref<!tpu.dma_semaphore, #tpu.memory_space<semaphore_mem>>) src(%dma_wait3A_97 : memref<80x128xf32, #tpu.memory_space<vmem_shared>>) dst(%arg9 : memref<80x128xf32, #tpu.memory_space<vmem>>)
      tpu.yield
    }) : () -> ()
    %mul3A_82 = arith.constant 80 : i32
    %mul3A_83 = arith.muli %add3A_79, %mul3A_82 : i32
    "tpu.region"() ({
      %run_scoped3A = tpu.sem_alloc : memref<!tpu.dma_semaphore, #tpu.memory_space<semaphore_mem>>
      %dma_start3A = arith.constant 0 : i32
      %dma_start3A_92 = tpu.memref_slice %arg5[%arg0, %mul3A_83, %dma_start3A] : memref<2x10000x128xf32, #tpu.memory_space<hbm>> -> memref<1x80x128xf32, #tpu.memory_space<hbm>>
      %dma_start3A_93 = tpu.memref_squeeze %dma_start3A_92 : memref<1x80x128xf32, #tpu.memory_space<hbm>> -> memref<80x128xf32, #tpu.memory_space<hbm>>
      %dma_start3A_94 = arith.constant 0 : i32
      %dma_start3A_95 = tpu.memref_slice %arg5[%arg0, %mul3A_83, %dma_start3A_94] : memref<2x10000x128xf32, #tpu.memory_space<hbm>> -> memref<1x80x128xf32, #tpu.memory_space<hbm>>
      %dma_start3A_96 = tpu.memref_squeeze %dma_start3A_95 : memref<1x80x128xf32, #tpu.memory_space<hbm>> -> memref<80x128xf32, #tpu.memory_space<hbm>>
      tpu.enqueue_dma source(%arg9 : memref<80x128xf32, #tpu.memory_space<vmem>>) target(%dma_start3A_96 : memref<80x128xf32, #tpu.memory_space<hbm>>) target_semaphore(%run_scoped3A : memref<!tpu.dma_semaphore, #tpu.memory_space<semaphore_mem>>)
      %dma_wait3A = arith.constant 0 : i32
      %dma_wait3A_97 = tpu.memref_slice %arg5[%arg0, %mul3A_83, %dma_wait3A] : memref<2x10000x128xf32, #tpu.memory_space<hbm>> -> memref<1x80x128xf32, #tpu.memory_space<hbm>>
      %dma_wait3A_98 = tpu.memref_squeeze %dma_wait3A_97 : memref<1x80x128xf32, #tpu.memory_space<hbm>> -> memref<80x128xf32, #tpu.memory_space<hbm>>
      %dma_wait3A_99 = arith.constant 0 : i32
      %dma_wait3A_100 = tpu.memref_slice %arg5[%arg0, %mul3A_83, %dma_wait3A_99] : memref<2x10000x128xf32, #tpu.memory_space<hbm>> -> memref<1x80x128xf32, #tpu.memory_space<hbm>>
      %dma_wait3A_101 = tpu.memref_squeeze %dma_wait3A_100 : memref<1x80x128xf32, #tpu.memory_space<hbm>> -> memref<80x128xf32, #tpu.memory_space<hbm>>
      tpu.wait_dma2 semaphore(%run_scoped3A : memref<!tpu.dma_semaphore, #tpu.memory_space<semaphore_mem>>) src(%arg9 : memref<80x128xf32, #tpu.memory_space<vmem>>) dst(%dma_wait3A_101 : memref<80x128xf32, #tpu.memory_space<hbm>>)
      tpu.yield
    }) : () -> ()
    %rem3A_84 = arith.constant 13 : i32
    %rem3A_85 = arith.remsi %arg1, %rem3A_84 : i32
    %add3A_86 = arith.constant 112 : i32
    %add3A_87 = arith.addi %add3A_86, %rem3A_85 : i32
    %mul3A_88 = arith.constant 80 : i32
    %mul3A_89 = arith.muli %add3A_87, %mul3A_88 : i32
    "tpu.region"() ({
      %run_scoped3A = tpu.sem_alloc : memref<!tpu.dma_semaphore, #tpu.memory_space<semaphore_mem>>
      %dma_start3A = arith.constant 0 : i32
      %dma_start3A_92 = tpu.memref_slice %arg6[%mul3A_89, %dma_start3A] : memref<10000x128xf32, #tpu.memory_space<vmem_shared>> -> memref<80x128xf32, #tpu.memory_space<vmem_shared>>
      %dma_start3A_93 = arith.constant 0 : i32
      %dma_start3A_94 = tpu.memref_slice %arg6[%mul3A_89, %dma_start3A_93] : memref<10000x128xf32, #tpu.memory_space<vmem_shared>> -> memref<80x128xf32, #tpu.memory_space<vmem_shared>>
      tpu.enqueue_dma source(%dma_start3A_94 : memref<80x128xf32, #tpu.memory_space<vmem_shared>>) target(%arg9 : memref<80x128xf32, #tpu.memory_space<vmem>>) target_semaphore(%run_scoped3A : memref<!tpu.dma_semaphore, #tpu.memory_space<semaphore_mem>>)
      %dma_wait3A = arith.constant 0 : i32
      %dma_wait3A_95 = tpu.memref_slice %arg6[%mul3A_89, %dma_wait3A] : memref<10000x128xf32, #tpu.memory_space<vmem_shared>> -> memref<80x128xf32, #tpu.memory_space<vmem_shared>>
      %dma_wait3A_96 = arith.constant 0 : i32
      %dma_wait3A_97 = tpu.memref_slice %arg6[%mul3A_89, %dma_wait3A_96] : memref<10000x128xf32, #tpu.memory_space<vmem_shared>> -> memref<80x128xf32, #tpu.memory_space<vmem_shared>>
      tpu.wait_dma2 semaphore(%run_scoped3A : memref<!tpu.dma_semaphore, #tpu.memory_space<semaphore_mem>>) src(%dma_wait3A_97 : memref<80x128xf32, #tpu.memory_space<vmem_shared>>) dst(%arg9 : memref<80x128xf32, #tpu.memory_space<vmem>>)
      tpu.yield
    }) : () -> ()
    %mul3A_90 = arith.constant 80 : i32
    %mul3A_91 = arith.muli %add3A_87, %mul3A_90 : i32
    "tpu.region"() ({
      %run_scoped3A = tpu.sem_alloc : memref<!tpu.dma_semaphore, #tpu.memory_space<semaphore_mem>>
      %dma_start3A = arith.constant 0 : i32
      %dma_start3A_92 = tpu.memref_slice %arg5[%arg0, %mul3A_91, %dma_start3A] : memref<2x10000x128xf32, #tpu.memory_space<hbm>> -> memref<1x80x128xf32, #tpu.memory_space<hbm>>
      %dma_start3A_93 = tpu.memref_squeeze %dma_start3A_92 : memref<1x80x128xf32, #tpu.memory_space<hbm>> -> memref<80x128xf32, #tpu.memory_space<hbm>>
      %dma_start3A_94 = arith.constant 0 : i32
      %dma_start3A_95 = tpu.memref_slice %arg5[%arg0, %mul3A_91, %dma_start3A_94] : memref<2x10000x128xf32, #tpu.memory_space<hbm>> -> memref<1x80x128xf32, #tpu.memory_space<hbm>>
      %dma_start3A_96 = tpu.memref_squeeze %dma_start3A_95 : memref<1x80x128xf32, #tpu.memory_space<hbm>> -> memref<80x128xf32, #tpu.memory_space<hbm>>
      tpu.enqueue_dma source(%arg9 : memref<80x128xf32, #tpu.memory_space<vmem>>) target(%dma_start3A_96 : memref<80x128xf32, #tpu.memory_space<hbm>>) target_semaphore(%run_scoped3A : memref<!tpu.dma_semaphore, #tpu.memory_space<semaphore_mem>>)
      %dma_wait3A = arith.constant 0 : i32
      %dma_wait3A_97 = tpu.memref_slice %arg5[%arg0, %mul3A_91, %dma_wait3A] : memref<2x10000x128xf32, #tpu.memory_space<hbm>> -> memref<1x80x128xf32, #tpu.memory_space<hbm>>
      %dma_wait3A_98 = tpu.memref_squeeze %dma_wait3A_97 : memref<1x80x128xf32, #tpu.memory_space<hbm>> -> memref<80x128xf32, #tpu.memory_space<hbm>>
      %dma_wait3A_99 = arith.constant 0 : i32
      %dma_wait3A_100 = tpu.memref_slice %arg5[%arg0, %mul3A_91, %dma_wait3A_99] : memref<2x10000x128xf32, #tpu.memory_space<hbm>> -> memref<1x80x128xf32, #tpu.memory_space<hbm>>
      %dma_wait3A_101 = tpu.memref_squeeze %dma_wait3A_100 : memref<1x80x128xf32, #tpu.memory_space<hbm>> -> memref<80x128xf32, #tpu.memory_space<hbm>>
      tpu.wait_dma2 semaphore(%run_scoped3A : memref<!tpu.dma_semaphore, #tpu.memory_space<semaphore_mem>>) src(%arg9 : memref<80x128xf32, #tpu.memory_space<vmem>>) dst(%dma_wait3A_101 : memref<80x128xf32, #tpu.memory_space<hbm>>)
      tpu.yield
    }) : () -> ()
    return
  }
}

module attributes {stable_mosaic.version = 14 : i64} {
  func.func @_relu_body(%arg0: i32, %arg1: memref<1000x128xf32, #tpu.memory_space<vmem>>, %arg2: memref<1000x128xf32, #tpu.memory_space<vmem>>) attributes {dimension_semantics = [#tpu.dimension_semantics<arbitrary>], iteration_bounds = array<i64: 10>, scalar_prefetch = 0 : i64, scratch_operands = 0 : i64, tpu.core_type = #tpu.core_type<tc>, window_params = [{transform_indices = @transform_0, window_bounds = array<i64: 1000, 128>}, {transform_indices = @transform_1, window_bounds = array<i64: 1000, 128>}]} {
    %get3A = arith.constant 0 : index
    %get3A_0 = arith.constant 0 : index
    %get3A_1 = vector.load %arg1[%get3A, %get3A_0] : memref<1000x128xf32, #tpu.memory_space<vmem>>, vector<1000x128xf32>
    %max3A = arith.constant 0.000000e+00 : f32
    %max3A_2 = vector.broadcast %max3A : f32 to vector<1000x128xf32>
    %max3A_3 = arith.maximumf %get3A_1, %max3A_2 : vector<1000x128xf32>
    %swap3A = arith.constant 0 : index
    %swap3A_4 = arith.constant 0 : index
    %swap3A_5 = vector.load %arg2[%swap3A, %swap3A_4] : memref<1000x128xf32, #tpu.memory_space<vmem>>, vector<1000x128xf32>
    tpu.vector_store %arg2[%swap3A, %swap3A_4], %max3A_3 {strides = array<i32>} : memref<1000x128xf32, #tpu.memory_space<vmem>>, vector<1000x128xf32>,
    return
  }
  func.func @transform_0(%arg0: i32) -> (i32, i32) {
    %c0_i32 = arith.constant 0 : i32
    %c0_i32_0 = arith.constant 0 : i32
    return %arg0, %c0_i32 : i32, i32
  }
  func.func @transform_1(%arg0: i32) -> (i32, i32) {
    %c0_i32 = arith.constant 0 : i32
    %c0_i32_0 = arith.constant 0 : i32
    return %arg0, %c0_i32 : i32, i32
  }
}

module attributes {stable_mosaic.version = 14 : i64} {
  func.func @_head_body(%arg0: i32, %arg1: memref<400x128xf32, #tpu.memory_space<vmem>>, %arg2: memref<2x400x128xf32, #tpu.memory_space<vmem>>, %arg3: memref<2x400x128xf32, #tpu.memory_space<vmem>>, %arg4: memref<128x128xf32, #tpu.memory_space<vmem>>, %arg5: memref<1x128xf32, #tpu.memory_space<vmem>>, %arg6: memref<128x128xf32, #tpu.memory_space<vmem>>, %arg7: memref<128x40xf32, #tpu.memory_space<vmem>>, %arg8: memref<128x100xf32, #tpu.memory_space<vmem>>, %arg9: memref<400x128xf32, #tpu.memory_space<vmem>>, %arg10: memref<400x40xf32, #tpu.memory_space<vmem>>, %arg11: memref<400x100xf32, #tpu.memory_space<vmem>>) attributes {dimension_semantics = [#tpu.dimension_semantics<arbitrary>], iteration_bounds = array<i64: 25>, scalar_prefetch = 0 : i64, scratch_operands = 0 : i64, tpu.core_type = #tpu.core_type<tc>, window_params = [{transform_indices = @transform_0, window_bounds = array<i64: 400, 128>}, {transform_indices = @transform_1, window_bounds = array<i64: 2, 400, 128>}, {transform_indices = @transform_2, window_bounds = array<i64: 2, 400, 128>}, {pipeline_mode = #tpu.pipeline_mode<synchronous>, transform_indices = @transform_3, window_bounds = array<i64: 128, 128>}, {pipeline_mode = #tpu.pipeline_mode<synchronous>, transform_indices = @transform_4, window_bounds = array<i64: 1, 128>}, {pipeline_mode = #tpu.pipeline_mode<synchronous>, transform_indices = @transform_5, window_bounds = array<i64: 128, 128>}, {pipeline_mode = #tpu.pipeline_mode<synchronous>, transform_indices = @transform_6, window_bounds = array<i64: 128, 40>}, {pipeline_mode = #tpu.pipeline_mode<synchronous>, transform_indices = @transform_7, window_bounds = array<i64: 128, 100>}, {transform_indices = @transform_8, window_bounds = array<i64: 400, 128>}, {transform_indices = @transform_9, window_bounds = array<i64: 400, 40>}, {transform_indices = @transform_10, window_bounds = array<i64: 400, 100>}]} {
    %get3A = arith.constant 0 : index
    %get3A_0 = arith.constant 0 : index
    %get3A_1 = vector.load %arg1[%get3A, %get3A_0] : memref<400x128xf32, #tpu.memory_space<vmem>>, vector<400x128xf32>
    %get3A_2 = arith.constant 0 : index
    %get3A_3 = arith.constant 0 : index
    %get3A_4 = arith.constant 0 : index
    %get3A_5 = vector.load %arg2[%get3A_2, %get3A_3, %get3A_4] : memref<2x400x128xf32, #tpu.memory_space<vmem>>, vector<1x400x128xf32>
    %get3A_6 = vector.shape_cast %get3A_5 : vector<1x400x128xf32> to vector<400x128xf32>
    %get3A_7 = arith.constant 1 : index
    %get3A_8 = arith.constant 0 : index
    %get3A_9 = arith.constant 0 : index
    %get3A_10 = vector.load %arg2[%get3A_7, %get3A_8, %get3A_9] : memref<2x400x128xf32, #tpu.memory_space<vmem>>, vector<1x400x128xf32>
    %get3A_11 = vector.shape_cast %get3A_10 : vector<1x400x128xf32> to vector<400x128xf32>
    %add3A = arith.addf %get3A_6, %get3A_11 : vector<400x128xf32>
    %get3A_12 = arith.constant 0 : index
    %get3A_13 = arith.constant 0 : index
    %get3A_14 = arith.constant 0 : index
    %get3A_15 = vector.load %arg3[%get3A_12, %get3A_13, %get3A_14] : memref<2x400x128xf32, #tpu.memory_space<vmem>>, vector<1x400x1xf32>
    %get3A_16 = vector.shape_cast %get3A_15 : vector<1x400x1xf32> to vector<400x1xf32>
    %get3A_17 = arith.constant 1 : index
    %get3A_18 = arith.constant 0 : index
    %get3A_19 = arith.constant 0 : index
    %get3A_20 = vector.load %arg3[%get3A_17, %get3A_18, %get3A_19] : memref<2x400x128xf32, #tpu.memory_space<vmem>>, vector<1x400x1xf32>
    %get3A_21 = vector.shape_cast %get3A_20 : vector<1x400x1xf32> to vector<400x1xf32>
    %add3A_22 = arith.addf %get3A_16, %get3A_21 : vector<400x1xf32>
    %max3A = arith.constant 1.000000e+00 : f32
    %max3A_23 = vector.broadcast %max3A : f32 to vector<400x1xf32>
    %max3A_24 = arith.maximumf %add3A_22, %max3A_23 : vector<400x1xf32>
    %div3A = vector.broadcast %max3A_24 : vector<400x1xf32> to vector<400x128xf32>
    %div3A_25 = arith.divf %add3A, %div3A : vector<400x128xf32>
    %get3A_26 = arith.constant 0 : index
    %get3A_27 = arith.constant 0 : index
    %get3A_28 = vector.load %arg4[%get3A_26, %get3A_27] : memref<128x128xf32, #tpu.memory_space<vmem>>, vector<128x128xf32>
    %dot_general3A = arith.constant dense<0.000000e+00> : vector<400x128xf32>
    %dot_general3A_29 = tpu.matmul %div3A_25, %get3A_28, %dot_general3A {dimension_numbers = #tpu.dot_dimension_numbers<[1], [0], [0], [1], [0, 0, 1, 1], [], []>, transpose_lhs_hint = false} : vector<400x128xf32>, vector<128x128xf32>, vector<400x128xf32> -> vector<400x128xf32>
    %get3A_30 = arith.constant 0 : index
    %get3A_31 = arith.constant 0 : index
    %get3A_32 = vector.load %arg5[%get3A_30, %get3A_31] : memref<1x128xf32, #tpu.memory_space<vmem>>, vector<1x128xf32>
    %add3A_33 = vector.broadcast %get3A_32 : vector<1x128xf32> to vector<400x128xf32>
    %add3A_34 = arith.addf %dot_general3A_29, %add3A_33 : vector<400x128xf32>
    %get3A_35 = arith.constant 0 : index
    %get3A_36 = arith.constant 0 : index
    %get3A_37 = vector.load %arg6[%get3A_35, %get3A_36] : memref<128x128xf32, #tpu.memory_space<vmem>>, vector<128x128xf32>
    %dot_general3A_38 = arith.constant dense<0.000000e+00> : vector<400x128xf32>
    %dot_general3A_39 = tpu.matmul %get3A_1, %get3A_37, %dot_general3A_38 {dimension_numbers = #tpu.dot_dimension_numbers<[1], [0], [0], [1], [0, 0, 1, 1], [], []>, transpose_lhs_hint = false} : vector<400x128xf32>, vector<128x128xf32>, vector<400x128xf32> -> vector<400x128xf32>
    %add3A_40 = arith.addf %add3A_34, %dot_general3A_39 : vector<400x128xf32>
    %swap3A = arith.constant 0 : index
    %swap3A_41 = arith.constant 0 : index
    %swap3A_42 = vector.load %arg9[%swap3A, %swap3A_41] : memref<400x128xf32, #tpu.memory_space<vmem>>, vector<400x128xf32>
    tpu.vector_store %arg9[%swap3A, %swap3A_41], %add3A_40 {strides = array<i32>} : memref<400x128xf32, #tpu.memory_space<vmem>>, vector<400x128xf32>,
    %mul3A = arith.mulf %add3A_40, %add3A_40 : vector<400x128xf32>
    %reduce_sum3A = arith.constant dense<0.000000e+00> : vector<400xf32>
    %reduce_sum3A_43 = vector.multi_reduction <add>, %mul3A, %reduce_sum3A [1] : vector<400x128xf32> to vector<400xf32>
    %broadcast_in_dim3A = vector.shape_cast %reduce_sum3A_43 : vector<400xf32> to vector<400x1xf32>
    %sqrt3A = math.sqrt %broadcast_in_dim3A : vector<400x1xf32>
    %max3A_44 = arith.constant 9.99999996E-13 : f32
    %max3A_45 = vector.broadcast %max3A_44 : f32 to vector<400x1xf32>
    %max3A_46 = arith.maximumf %sqrt3A, %max3A_45 : vector<400x1xf32>
    %div3A_47 = vector.broadcast %max3A_46 : vector<400x1xf32> to vector<400x128xf32>
    %div3A_48 = arith.divf %add3A_40, %div3A_47 : vector<400x128xf32>
    %get3A_49 = arith.constant 0 : index
    %get3A_50 = arith.constant 0 : index
    %get3A_51 = vector.load %arg7[%get3A_49, %get3A_50] : memref<128x40xf32, #tpu.memory_space<vmem>>, vector<128x40xf32>
    %mul3A_52 = arith.mulf %get3A_51, %get3A_51 : vector<128x40xf32>
    %reduce_sum3A_53 = arith.constant dense<0.000000e+00> : vector<40xf32>
    %reduce_sum3A_54 = vector.multi_reduction <add>, %mul3A_52, %reduce_sum3A_53 [0] : vector<128x40xf32> to vector<40xf32>
    %broadcast_in_dim3A_55 = vector.shape_cast %reduce_sum3A_54 : vector<40xf32> to vector<1x40xf32>
    %sqrt3A_56 = math.sqrt %broadcast_in_dim3A_55 : vector<1x40xf32>
    %max3A_57 = arith.constant 9.99999996E-13 : f32
    %max3A_58 = vector.broadcast %max3A_57 : f32 to vector<1x40xf32>
    %max3A_59 = arith.maximumf %sqrt3A_56, %max3A_58 : vector<1x40xf32>
    %div3A_60 = vector.broadcast %max3A_59 : vector<1x40xf32> to vector<128x40xf32>
    %div3A_61 = arith.divf %get3A_51, %div3A_60 : vector<128x40xf32>
    %get3A_62 = arith.constant 0 : index
    %get3A_63 = arith.constant 0 : index
    %get3A_64 = vector.load %arg8[%get3A_62, %get3A_63] : memref<128x100xf32, #tpu.memory_space<vmem>>, vector<128x100xf32>
    %mul3A_65 = arith.mulf %get3A_64, %get3A_64 : vector<128x100xf32>
    %reduce_sum3A_66 = arith.constant dense<0.000000e+00> : vector<100xf32>
    %reduce_sum3A_67 = vector.multi_reduction <add>, %mul3A_65, %reduce_sum3A_66 [0] : vector<128x100xf32> to vector<100xf32>
    %broadcast_in_dim3A_68 = vector.shape_cast %reduce_sum3A_67 : vector<100xf32> to vector<1x100xf32>
    %sqrt3A_69 = math.sqrt %broadcast_in_dim3A_68 : vector<1x100xf32>
    %max3A_70 = arith.constant 9.99999996E-13 : f32
    %max3A_71 = vector.broadcast %max3A_70 : f32 to vector<1x100xf32>
    %max3A_72 = arith.maximumf %sqrt3A_69, %max3A_71 : vector<1x100xf32>
    %div3A_73 = vector.broadcast %max3A_72 : vector<1x100xf32> to vector<128x100xf32>
    %div3A_74 = arith.divf %get3A_64, %div3A_73 : vector<128x100xf32>
    %dot_general3A_75 = arith.constant dense<0.000000e+00> : vector<400x40xf32>
    %dot_general3A_76 = tpu.matmul %div3A_48, %div3A_61, %dot_general3A_75 {dimension_numbers = #tpu.dot_dimension_numbers<[1], [0], [0], [1], [0, 0, 1, 1], [], []>, transpose_lhs_hint = false} : vector<400x128xf32>, vector<128x40xf32>, vector<400x40xf32> -> vector<400x40xf32>
    %swap3A_77 = arith.constant 0 : index
    %swap3A_78 = arith.constant 0 : index
    %swap3A_79 = vector.load %arg10[%swap3A_77, %swap3A_78] : memref<400x40xf32, #tpu.memory_space<vmem>>, vector<400x40xf32>
    tpu.vector_store %arg10[%swap3A_77, %swap3A_78], %dot_general3A_76 {strides = array<i32>} : memref<400x40xf32, #tpu.memory_space<vmem>>, vector<400x40xf32>,
    %dot_general3A_80 = arith.constant dense<0.000000e+00> : vector<400x100xf32>
    %dot_general3A_81 = tpu.matmul %div3A_48, %div3A_74, %dot_general3A_80 {dimension_numbers = #tpu.dot_dimension_numbers<[1], [0], [0], [1], [0, 0, 1, 1], [], []>, transpose_lhs_hint = false} : vector<400x128xf32>, vector<128x100xf32>, vector<400x100xf32> -> vector<400x100xf32>
    %swap3A_82 = arith.constant 0 : index
    %swap3A_83 = arith.constant 0 : index
    %swap3A_84 = vector.load %arg11[%swap3A_82, %swap3A_83] : memref<400x100xf32, #tpu.memory_space<vmem>>, vector<400x100xf32>
    tpu.vector_store %arg11[%swap3A_82, %swap3A_83], %dot_general3A_81 {strides = array<i32>} : memref<400x100xf32, #tpu.memory_space<vmem>>, vector<400x100xf32>,
    return
  }
  func.func @transform_0(%arg0: i32) -> (i32, i32) {
    %c0_i32 = arith.constant 0 : i32
    %c0_i32_0 = arith.constant 0 : i32
    return %arg0, %c0_i32 : i32, i32
  }
  func.func @transform_1(%arg0: i32) -> (i32, i32, i32) {
    %c0_i32 = arith.constant 0 : i32
    %c0_i32_0 = arith.constant 0 : i32
    %c0_i32_1 = arith.constant 0 : i32
    return %c0_i32, %arg0, %c0_i32_0 : i32, i32, i32
  }
  func.func @transform_2(%arg0: i32) -> (i32, i32, i32) {
    %c0_i32 = arith.constant 0 : i32
    %c0_i32_0 = arith.constant 0 : i32
    %c0_i32_1 = arith.constant 0 : i32
    return %c0_i32, %arg0, %c0_i32_0 : i32, i32, i32
  }
  func.func @transform_3(%arg0: i32) -> (i32, i32) {
    %c0_i32 = arith.constant 0 : i32
    %c0_i32_0 = arith.constant 0 : i32
    %c0_i32_1 = arith.constant 0 : i32
    return %c0_i32, %c0_i32_0 : i32, i32
  }
  func.func @transform_4(%arg0: i32) -> (i32, i32) {
    %c0_i32 = arith.constant 0 : i32
    %c0_i32_0 = arith.constant 0 : i32
    %c0_i32_1 = arith.constant 0 : i32
    return %c0_i32, %c0_i32_0 : i32, i32
  }
  func.func @transform_5(%arg0: i32) -> (i32, i32) {
    %c0_i32 = arith.constant 0 : i32
    %c0_i32_0 = arith.constant 0 : i32
    %c0_i32_1 = arith.constant 0 : i32
    return %c0_i32, %c0_i32_0 : i32, i32
  }
  func.func @transform_6(%arg0: i32) -> (i32, i32) {
    %c0_i32 = arith.constant 0 : i32
    %c0_i32_0 = arith.constant 0 : i32
    %c0_i32_1 = arith.constant 0 : i32
    return %c0_i32, %c0_i32_0 : i32, i32
  }
  func.func @transform_7(%arg0: i32) -> (i32, i32) {
    %c0_i32 = arith.constant 0 : i32
    %c0_i32_0 = arith.constant 0 : i32
    %c0_i32_1 = arith.constant 0 : i32
    return %c0_i32, %c0_i32_0 : i32, i32
  }
  func.func @transform_8(%arg0: i32) -> (i32, i32) {
    %c0_i32 = arith.constant 0 : i32
    %c0_i32_0 = arith.constant 0 : i32
    return %arg0, %c0_i32 : i32, i32
  }
  func.func @transform_9(%arg0: i32) -> (i32, i32) {
    %c0_i32 = arith.constant 0 : i32
    %c0_i32_0 = arith.constant 0 : i32
    return %arg0, %c0_i32 : i32, i32
  }
  func.func @transform_10(%arg0: i32) -> (i32, i32) {
    %c0_i32 = arith.constant 0 : i32
    %c0_i32_0 = arith.constant 0 : i32
    return %arg0, %c0_i32 : i32, i32
  }
}

</mosaic_0001>

<sc_bundles>
// kernel: kernel.6.cloned.1.call-start
scs
__scs_entry_jumppad:
0x0: {  	(pc) =	sbr.rel $0x88, $3  }
0x1: {  	(tag) =	ssettag $0x0;
	lr =	simm.s32 $0x1  }
0x2: {  	[smem:$0x3F9A] =	sst lr;
	_ =	strace $0xD0000000  }
0x3: {  	_ = 	snop  }
0x4: {  	_ = 	snop  }
0x5: {  	_ = 	snop  }
0x6: {  	_ = 	snop  }
0x7: {  	_ = 	snop  }
__scs_overlays_trampoline_lowered:
0x8: {  	[smem:$0x3FA9] =	sst s0  }
0x9: {  	[smem:$0x3FAA] =	sst s1  }
0xa: {  	[smem:$0x3FAB] =	sst s2  }
0xb: {  	[smem:$0x3FAC] =	sst s3  }
0xc: {  	[smem:$0x3FAD] =	sst s4  }
0xd: {  	[smem:$0x3FAE] =	sst s5  }
0xe: {  	[smem:$0x3FAF] =	sst s6  }
0xf: {  	[smem:$0x3FB0] =	sst s7  }
0x10: {  	[smem:$0x3FB1] =	sst s8  }
0x11: {  	[smem:$0x3FB2] =	sst s9;
	s0 =	simm.s32 @!p0 $0x0  }
0x12: {  	s1 =	sld [smem:$0x3F98];
	s0 =	simm.s32 @p0 $0x1  }
0x13: {  	[smem:$0x3FB3] =	sst s0;
	s0 =	simm.s32 @!p1 $0x0  }
0x14: {  	s2 =	sld [smem:$0x3F97];
	s0 =	simm.s32 @p1 $0x1  }
0x15: {  	[smem:$0x3FB4] =	sst s0;
	s0 =	simm.s32 @!p2 $0x0  }
0x16: {  	s3 =	sld [smem:$0x3FDB];
	s0 =	simm.s32 @p2 $0x1  }
0x17: {  	s4 =	simm.s32 $0x1BF5;
	[smem:$0x3FB6] =	sst s0  }
0x18: {  	s0 =	sld [smem:$0x3F99];
	_ =	swait.ge [sflag:s4], $0x0  }
0x19: {  	s7 =	sld [smem:$0x3F9A]  }
0x1a: {  	s8 =	sadd.s32 $0xFFFFE003, lr  }
0x1b: {  	s9 =	sadd.s32 $0xFFFFFEF7, lr;
	s5 =	simm.s32 $0xFFFFFFFF;
	p2 =	slt.u32 s8, $0xFFFFF086  }
0x1c: {  	p1 =	slt.u32 s9, $0xF7A;
	s5 =	simm.s32 @!p2 $0x0  }
0x1d: {  	s5 =	simm.s32 @p1 $0x1;
	p0 =	seq.s32 s7, s2  }
0x1e: {  	s7 =	smul.u32 @!p0 $0xF7A, s2;
	p2 =	seq.s32 @!p0 s5, $0x0  }
0x1f: {  	s9 =	smul.u32 $0xF7A, s1;
	s8 =	simm.s32 @!p0 $0x1BF5;
	p2 =	por !p2, p0  }
0x20: {  	[sflag:s8] =	ssyncset.s32 @!p0 $0xFFFFF086;
	s6 =	sadd.s32 @!p0 s3, s7;
	s7 =	simm.s32 @!p0 $0x108  }
0x21: {  	s3 =	sadd.s32 s3, s9;
	s6 =	sadd.s32 @!p0 $0x88, s6;
	s7 =	simm.s32 @p2 $0x1082  }
0x22: {  	[simem:s7], [sflag:s8] =	dma.local @!p0 [hbm:s6], $0xF7A  }
0x23: {  	s9 =	sor.u32 $0xD0000000, s2;
	s6 =	simm.s32 $0x108;
	_ =	swait.ge @!p0 [sflag:s8], $0x0  }
0x24: {  	s3 =	sadd.s32 $0x88, s3;
	s6 =	simm.s32 @!p1 $0x1082;
	[sflag:s4] =	ssyncset.s32 $0xFFFFF086  }
0x25: {  	[simem:s6], [sflag:s4] =	dma.local [hbm:s3], $0xF7A  }
0x26: {  	[smem:$0x3F9A] =	sst s1;
	(tag) =	ssettag s2;
	_ =	strace s9  }
0x27: {  	s1 =	sld [smem:$0x3FAA]  }
0x28: {  	s2 =	sld [smem:$0x3FAB]  }
0x29: {  	s4 =	sld [smem:$0x3FAD]  }
0x2a: {  	p0 =	seq.s32 s5, $0x0;
	s5 =	sld [smem:$0x3FAE]  }
0x2b: {  	s6 =	sld [smem:$0x3FAF]  }
0x2c: {  	s7 =	sld [smem:$0x3FB0]  }
0x2d: {  	s3 =	simm.s32 $0x108;
	s8 =	sld [smem:$0x3FB1]  }
0x2e: {  	s3 =	simm.s32 @!p0 $0x1082;
	s9 =	sld [smem:$0x3FB2]  }
0x2f: {  	lr =	sadd.s32 s0, s3;
	s0 =	sld [smem:$0x3FA9]  }
0x30: {  	s3 =	sld [smem:$0x3FAC]  }
0x31: {  	[smem:$0x3FB5] =	sst s10  }
0x32: {  	s10 =	sld [smem:$0x3FB3];
	_ =	sdelay $0x3  }
0x33: {  	p0 =	seq.s32 s10, $0x1;
	s10 =	sld [smem:$0x3FB5];
	_ =	sdelay $0x3  }
0x34: {  	[smem:$0x3FB5] =	sst s10  }
0x35: {  	s10 =	sld [smem:$0x3FB4];
	_ =	sdelay $0x3  }
0x36: {  	p1 =	seq.s32 s10, $0x1;
	s10 =	sld [smem:$0x3FB5];
	_ =	sdelay $0x3  }
0x37: {  	[smem:$0x3FB5] =	sst s10  }
0x38: {  	s10 =	sld [smem:$0x3FB6]  }
0x39: {  	_ = 	snop;
	(pc) =	sbr.ind lr, $3  }
0x3a: {  	_ = 	snop  }
0x3b: {  	_ = 	snop  }
0x3c: {  	p2 =	seq.s32 s10, $0x1;
	s10 =	sld [smem:$0x3FB5]  }
0x3d: {  	_ =	shalt  }
0x3e: {  	_ =	shalt  }
0x3f: {  	_ =	shalt  }
0x40: {  	_ =	shalt  }
0x41: {  	_ =	shalt  }
0x42: {  	_ =	shalt  }
0x43: {  	_ =	shalt  }
0x44: {  	_ =	shalt  }
0x45: {  	_ =	shalt  }
0x46: {  	_ =	shalt  }
0x47: {  	_ =	shalt  }
0x48: {  	_ =	shalt  }
0x49: {  	_ =	shalt  }
0x4a: {  	_ =	shalt  }
0x4b: {  	_ =	shalt  }
0x4c: {  	_ =	shalt  }
0x4d: {  	_ =	shalt  }
0x4e: {  	_ =	shalt  }
0x4f: {  	_ =	shalt  }
0x50: {  	_ =	shalt  }
0x51: {  	_ =	shalt  }
0x52: {  	_ =	shalt  }
0x53: {  	_ =	shalt  }
0x54: {  	_ =	shalt  }
0x55: {  	_ =	shalt  }
0x56: {  	_ =	shalt  }
0x57: {  	_ =	shalt  }
0x58: {  	_ =	shalt  }
0x59: {  	_ =	shalt  }
0x5a: {  	_ =	shalt  }
0x5b: {  	_ =	shalt  }
0x5c: {  	_ =	shalt  }
0x5d: {  	_ =	shalt  }
0x5e: {  	_ =	shalt  }
0x5f: {  	_ =	shalt  }
0x60: {  	_ =	shalt  }
0x61: {  	_ =	shalt  }
0x62: {  	_ =	shalt  }
0x63: {  	_ =	shalt  }
0x64: {  	_ =	shalt  }
0x65: {  	_ =	shalt  }
0x66: {  	_ =	shalt  }
0x67: {  	_ =	shalt  }
0x68: {  	_ =	shalt  }
0x69: {  	_ =	shalt  }
0x6a: {  	_ =	shalt  }
0x6b: {  	_ =	shalt  }
0x6c: {  	_ =	shalt  }
0x6d: {  	_ =	shalt  }
0x6e: {  	_ =	shalt  }
0x6f: {  	_ =	shalt  }
0x70: {  	_ =	shalt  }
0x71: {  	_ =	shalt  }
0x72: {  	_ =	shalt  }
0x73: {  	_ =	shalt  }
0x74: {  	_ =	shalt  }
0x75: {  	_ =	shalt  }
0x76: {  	_ =	shalt  }
0x77: {  	_ =	shalt  }
0x78: {  	_ =	shalt  }
0x79: {  	_ =	shalt  }
0x7a: {  	_ =	shalt  }
0x7b: {  	_ =	shalt  }
0x7c: {  	_ =	shalt  }
0x7d: {  	_ =	shalt  }
0x7e: {  	_ =	shalt  }
0x7f: {  	_ =	shalt  }
0x80: {  	_ =	shalt  }
0x81: {  	_ =	shalt  }
0x82: {  	_ =	shalt  }
0x83: {  	_ =	shalt  }
0x84: {  	_ =	shalt  }
0x85: {  	_ =	shalt  }
0x86: {  	_ =	shalt  }
0x87: {  	_ =	shalt  }
.Lfunc_end0:
.L_simem_size_0:
called_computation_lowered:
.L_overlay_start_0:
0x88: {  	s2 =	sld [smem:$0x3FD9]  }
0x89: {  	s3 =	sld [smem:$0x3FFE];
	_ =	sdelay $0x1  }
0x8a: {  	s1 =	srdreg.scid  }
0x8b: {  	s0 =	sand.u32 $0x1, s1  }
0x8c: {  	s14 =	sshll.u32 s0, $0xA;
	s2 =	sadd.s32 s3, s2  }
0x8d: {  	s2 =	sadd.s32 s2, s14  }
0x8e: {  	[smem:$0x3FC1] =	sst s2  }
0x8f: {  	_ = 	snop  }
0x90: {  	s2 =	sld [smem:$0x3FD0];
	_ =	sdelay $0x2  }
0x91: {  	s15 =	simm.s32 $0xB;
	s4 =	simm.s32 $0x10  }
0x92: {  	[smem:s4], [sflag:s15] =	dma.local [hbm:s2], $0x1  }
0x93: {  	_ =	swait.eq [sflag:s15], $0x1  }
0x94: {  	s16 =	sld [smem:$0x10];
	[sflag:s15] =	ssyncset.done $0x0  }
0x95: {  	s17 =	sld [smem:$0x11];
	[sflag:s15] =	ssyncadd.s32 $0xFFFFFFFF  }
0x96: {  	s18 =	sld [smem:$0x12];
	(tm) =	ssettm $0x1  }
0x97: {  	s5 =	sld [smem:$0x3FFB];
	_ =	sdelay $0x3  }
0x98: {  	_ =	strace s5  }
0x99: {  	s5 =	sld [smem:$0x3FFC];
	_ =	sdelay $0x3  }
0x9a: {  	_ =	strace s5  }
0x9b: {  	s5 =	sld [smem:$0x3FFD];
	_ =	sdelay $0x3  }
0x9c: {  	_ =	strace s5  }
0x9d: {  	_ =	strace $0x8FFFFFFF  }
0x9e: {  	s19 =	sld [smem:$0x3FDB];
	_ =	sdelay $0x1  }
0x9f: {  	s6 =	simm.s32 $_scs_section_size  }
0xa0: {  	s7 =	simm.s32 $_size__tile_overlayer_lowered;
	s8 =	simm.s32 $_tile_overlayer_lowered  }
0xa1: {  	s22 =	simm.s32 $0x1BFF;
	s21 =	sshll.u32 s8, $0x1;
	s5 =	sadd.s32 s6, s19  }
0xa2: {  	s9 =	simm.s32 $0x0;
	s20 =	sshll.u32 s7, $0x1;
	s7 =	sadd.s32 s21, s5  }
0xa3: {  	[timem:s9], [sflag:s22] =	dma.local [hbm:s7], s20  }
0xa4: {  	_ =	swait.ge [sflag:s22], s20  }
0xa5: {  	s6 =	ssub.s32 $0x0, s20;
	[sflag:s22] =	ssyncset.done $0x0  }
0xa6: {  	[sflag:s22] =	ssyncadd.s32 s6;
	_ =	sdelay $0x1  }
0xa7: {  	s23 =	simm.s32 $0x1B8B  }
0xa8: {  	_ =	swait.ge [sflag:s23], $0x1  }
0xa9: {  	[sflag:s23] =	ssyncset.done $0x0  }
0xaa: {  	s25 =	simm.s32 $0x1B8E;
	s24 =	sld [smem:$0x3FFE];
	[sflag:s23] =	ssyncadd.s32 $0xFFFFFFFF  }
0xab: {  	s26 =	simm.s32 $execute0_lowered;
	[smem:$0x3FD2] =	sst s25  }
0xac: {  	s7 =	sshll.u32 s26, $0x1;
	_ =	strace $0x80000046;
	[dreg:$0x1] =	wrdreg $0xFFFFFFFF  }
0xad: {  	s28 =	simm.s32 $_size_execute0_lowered;
	s5 =	sadd.s32 s5, s7;
	[dreg:$0x0] =	wrdreg $0x0  }
0xae: {  	s7 =	sshll.u32 s28, $0x1;
	[dreg:$0x2] =	wrdreg s5  }
0xaf: {  	[dreg:$0x3] =	wrdreg s7  }
0xb0: {  	[dreg:$0x4] =	wrdreg $0xC0  }
0xb1: {  	_ =	task [dreg:s9], $0x5FFFF  }
0xb2: {  	[dreg:$0x1] =	wrdreg $0xFFFFFFFF  }
0xb3: {  	[dreg:$0x0] =	wrdreg $0x60  }
0xb4: {  	[dreg:$0x2] =	wrdreg s16  }
0xb5: {  	[dreg:$0x3] =	wrdreg s18  }
0xb6: {  	[dreg:$0x4] =	wrdreg s17  }
0xb7: {  	[dreg:$0x5] =	wrdreg s24  }
0xb8: {  	[dreg:$0x6] =	wrdreg $0x0  }
0xb9: {  	[dreg:$0x7] =	wrdreg $0x9  }
0xba: {  	_ =	task.clear_ibuf [dreg:s9], $0x8FFFF;
	_ =	strace $0x90000046  }
0xbb: {  	s29 =	simm.s32 $0x9;
	_ =	strace $0x80000048  }
0xbc: {  	_ =	swait.ge [sflag:s29], $0x1  }
0xbd: {  	[sflag:s29] =	ssyncadd.s32 $0xFFFFFFFF  }
0xbe: {  	_ =	strace $0x90000048  }
0xbf: {  	_ =	sfence  }
0xc0: {  	s30 =	sld [smem:$0x0];
	_ =	sdelay $0x2  }
0xc1: {  	s31 =	sshll.u32 s1, $0xD;
	s1 =	sshrl.u32 s1, $0x2  }
0xc2: {  	s3 =	sand.u32 $0x4000, s31;
	s1 =	sadd.s32 s1, s30  }
0xc3: {  	s0 =	sor.u32 s3, s0;
	s1 =	sshll.u32 s1, $0x11  }
0xc4: {  	s0 =	sor.u32 s1, s0  }
0xc5: {  	s0 =	sadd.s32 $0x8F2B, s0  }
0xc6: {  	[sflag:s0] =	ssyncadd.remote.s32 $0x1  }
0xc7: {  	_ =	sfence.sel $0xFFFF  }
0xc8: {  	[dreg:$0x0] =	wrdreg $0xFFFFFFFF;
	(pc) =	sbr.abs _section_cstart, $3  }
0xc9: {  	[dreg:$0x1] =	wrdreg $0xFFFFFFFF  }
0xca: {  	_ =	task.clear_ibuf [dreg:s9], $0x2FFFF;
	_ =	strace $0x9FFFFFFF  }
0xcb: {  	(tm) =	ssettm $0x7FFFFFFF  }
tec
execute0_lowered:
.L_overlay_start_1:
0x0: {  	(tag) =	ssettag $0x1  }
0x1: {  	s0 =	rddreg [dreg:$0x0]  }
0x2: {  	s1 =	rddreg [dreg:$0x1]  }
0x3: {  	s2 =	rddreg [dreg:$0x2]  }
0x4: {  	s5 =	rddreg [dreg:$0x3]  }
0x5: {  	s3 =	rddreg [dreg:$0x4];
	s4 =	simm.s32 $0x0;
	s6 =	srdreg.scid  }
0x6: {  	s17 =	stileid.u32;
	s28 =	simm.s32 $0x2;
	s29 =	simm.s32 $0x13880  }
0x7: {  	s30 =	simm.s32 $0x13900;
	s31 =	simm.s32 $0x50;
	s10 =	smul.u32 $0x2800, s17  }
0x8: {  	[smem:$0x7FF] =	sst s4;
	s6 =	sand.u32 $0x1, s6;
	s16 =	smul.u32 $0xA000, s17  }
0x9: {  	s7 =	sadd.s32 $0x1800, s5;
	s11 =	sadd.s32 $0xFFFFFFF3, s17;
	s13 =	smul.u32 $0x138800, s6  }
0xa: {  	s8 =	ssub.s32 $0x2, s6;
	s26 =	smin.u32 s17, s11;
	s6 =	smul.u32 $0x27100, s6  }
0xb: {  	s17 =	smul.u32 $0x2710, s17;
	s9 =	sshrl.u32 s8, $0x1;
	s18 =	sadd.s32 $0x28000, s10  }
0xc: {  	s19 =	sadd.s32 $0x50000, s10;
	s20 =	sadd.s32 $0x78000, s10;
	s21 =	sadd.s32 $0xA0000, s10  }
0xd: {  	s22 =	sadd.s32 $0xC8000, s10;
	s23 =	sadd.s32 $0xF0000, s10;
	s12 =	ssub.s32 s8, s9  }
0xe: {  	s8 =	smul.u32 $0x2800, s26;
	s9 =	sadd.s32 s10, s13;
	s10 =	sadd.s32 s13, s18  }
0xf: {  	s11 =	sadd.s32 s13, s19;
	s25 =	sadd.s32 s13, s20;
	s26 =	sadd.s32 s13, s21  }
0x10: {  	s18 =	sand.u32 $0x3FFFF800, s18;
	s19 =	sand.u32 $0x3FFFF800, s19;
	s20 =	sand.u32 $0x3FFFF800, s20  }
0x11: {  	s21 =	sand.u32 $0x3FFFF800, s21;
	s18 =	sadd.s32 s18, s3;
	s19 =	sadd.s32 s19, s3  }
0x12: {  	s20 =	sadd.s32 s20, s3;
	s21 =	sadd.s32 s21, s3;
	s24 =	sadd.s32 $0x118000, s8  }
0x13: {  	s8 =	sshrl.u32 s9, $0x3;
	s9 =	sshrl.u32 s10, $0x3;
	s10 =	sshrl.u32 s11, $0x3  }
0x14: {  	s8 =	sadd.s32 s7, s8;
	s14 =	sadd.s32 s7, s9;
	s15 =	sadd.s32 s7, s10  }
0x15: {  	s9 =	sshrl.u32 s25, $0x3;
	s10 =	sshrl.u32 s26, $0x3;
	[dreg:$0x6] =	wrdreg s8  }
0x16: {  	s25 =	sand.u32 $0x3FFFF800, s23;
	s26 =	sand.u32 $0x3FFFF800, s24;
	[dreg:$0x7] =	wrdreg s14  }
0x17: {  	[dreg:$0x8] =	wrdreg s15;
	s8 =	sadd.s32 s13, s22;
	s14 =	sadd.s32 s7, s9  }
0x18: {  	s15 =	sadd.s32 s7, s10;
	s22 =	sand.u32 $0x3FFFF800, s22;
	[dreg:$0x9] =	wrdreg s14  }
0x19: {  	s11 =	sshrl.u32 s8, $0x3;
	[dreg:$0xa] =	wrdreg s15;
	s14 =	sadd.s32 s13, s23  }
0x1a: {  	s13 =	sadd.s32 s13, s24;
	s22 =	sadd.s32 s22, s3;
	s23 =	sadd.s32 s25, s3  }
0x1b: {  	s24 =	sadd.s32 s26, s3;
	s25 =	smax.u32 s12, $0x1;
	s26 =	simm.s32 $0x13980  }
0x1c: {  	s12 =	simm.s32 $0x1;
	s11 =	sadd.s32 s7, s11;
	s14 =	sshrl.u32 s14, $0x3  }
0x1d: {  	s15 =	sshrl.u32 s13, $0x3;
	_ =	strace $0x80000047;
	s13 =	sadd.s32 s7, s14  }
0x1e: {  	s14 =	sadd.s32 s7, s15;
	s15 =	sadd.s32 s17, s6;
	s17 =	sshra.s32 s16, $0x2  }
0x1f: {  	s16 =	sadd.s32 $0x1200, s5;
	s5 =	simm.s32 $0x0;
	s17 =	sadd.s32 s17, s3  }
.LBB2_1:
0x20: {  	[tilespmem:s26], [sflag:$0x2] =	stream.linear.gather [hbm4b:s16+s4], $0x2800, $0x38;
	[tilespmem:$0x16180] =	vst v63  }
0x21: {  	_ =	swait.ge [sflag:s28], $0x2800  }
0x22: {  	[sflag:s28] =	ssyncset.done $0x0  }
0x23: {  	[sflag:s28] =	ssyncadd.s32 $0xFFFFD800  }
0x24: {  	[spmem:s17] =	stream.linear.scatter [tilespmem:s26], [sflag:$0x2], $0x2800, $0x38;
	[tilespmem:$0x16180] =	vst v63  }
0x25: {  	_ =	swait.ge [sflag:s28], $0x2800  }
0x26: {  	[sflag:s28] =	ssyncset.done $0x0  }
0x27: {  	[sflag:s28] =	ssyncadd.s32 $0xFFFFD800  }
0x28: {  	[spmem:s18] =	stream.linear.scatter [tilespmem:s26], [sflag:$0x2], $0x2800, $0x38;
	[tilespmem:$0x16180] =	vst v63  }
0x29: {  	_ =	swait.ge [sflag:s28], $0x2800  }
0x2a: {  	[sflag:s28] =	ssyncset.done $0x0  }
0x2b: {  	[sflag:s28] =	ssyncadd.s32 $0xFFFFD800  }
0x2c: {  	[spmem:s19] =	stream.linear.scatter [tilespmem:s26], [sflag:$0x2], $0x2800, $0x38;
	[tilespmem:$0x16180] =	vst v63  }
0x2d: {  	_ =	swait.ge [sflag:s28], $0x2800  }
0x2e: {  	[sflag:s28] =	ssyncset.done $0x0  }
0x2f: {  	[sflag:s28] =	ssyncadd.s32 $0xFFFFD800  }
0x30: {  	[spmem:s20] =	stream.linear.scatter [tilespmem:s26], [sflag:$0x2], $0x2800, $0x38;
	[tilespmem:$0x16180] =	vst v63  }
0x31: {  	_ =	swait.ge [sflag:s28], $0x2800  }
0x32: {  	[sflag:s28] =	ssyncset.done $0x0  }
0x33: {  	[sflag:s28] =	ssyncadd.s32 $0xFFFFD800  }
0x34: {  	[spmem:s21] =	stream.linear.scatter [tilespmem:s26], [sflag:$0x2], $0x2800, $0x38;
	[tilespmem:$0x16180] =	vst v63  }
0x35: {  	_ =	swait.ge [sflag:s28], $0x2800  }
0x36: {  	[sflag:s28] =	ssyncset.done $0x0  }
0x37: {  	[sflag:s28] =	ssyncadd.s32 $0xFFFFD800  }
0x38: {  	[spmem:s22] =	stream.linear.scatter [tilespmem:s26], [sflag:$0x2], $0x2800, $0x38;
	[tilespmem:$0x16180] =	vst v63  }
0x39: {  	_ =	swait.ge [sflag:s28], $0x2800  }
0x3a: {  	[sflag:s28] =	ssyncset.done $0x0  }
0x3b: {  	[sflag:s28] =	ssyncadd.s32 $0xFFFFD800  }
0x3c: {  	[spmem:s23] =	stream.linear.scatter [tilespmem:s26], [sflag:$0x2], $0x2800, $0x38;
	[tilespmem:$0x16180] =	vst v63  }
0x3d: {  	_ =	swait.ge [sflag:s28], $0x2800  }
0x3e: {  	[sflag:s28] =	ssyncset.done $0x0  }
0x3f: {  	[sflag:s28] =	ssyncadd.s32 $0xFFFFD800  }
0x40: {  	[spmem:s24] =	stream.linear.scatter [tilespmem:s26], [sflag:$0x2], $0x2800, $0x38;
	[tilespmem:$0x16180] =	vst v63  }
0x41: {  	_ =	swait.ge [sflag:s28], $0x2800  }
0x42: {  	s6 =	sadd.s32 $0x0, s15;
	[sflag:s28] =	ssyncset.done $0x0  }
0x43: {  	s6 =	sshrl.u32 s6, $0x3;
	[sflag:s28] =	ssyncadd.s32 $0xFFFFD800  }
0x44: {  	s7 =	sadd.s32 s1, s6;
	[bflag:$0x0] =	sbarrier.arrive $0xFFFF  }
0x45: {  	[tilespmem:s29], [sflag:$0x2] =	stream.linear.gather [hbm4b:s7+s4], $0x50, $0x38;
	[tilespmem:$0x16180] =	vst v63  }
0x46: {  	_ =	swait.ge [sflag:s28], $0x50  }
0x47: {  	[sflag:s28] =	ssyncset.done $0x0  }
0x48: {  	s6 =	sadd.s32 s2, s6;
	[sflag:s28] =	ssyncadd.s32 $0xFFFFFFB0  }
0x49: {  	[tilespmem:s30], [sflag:$0x2] =	stream.linear.gather [hbm4b:s6+s4], $0x50, $0x38;
	[tilespmem:$0x16180] =	vst v63  }
0x4a: {  	_ =	swait.ge [sflag:s28], $0x50  }
0x4b: {  	[sflag:s28] =	ssyncset.done $0x0  }
0x4c: {  	[sflag:s28] =	ssyncadd.s32 $0xFFFFFFB0  }
0x4d: {  	[tilespmem:s26], [sflag:$0x1] =	stream.indirect.gather [hbm4b:s0+s31], $0x80, s29, s31, $0xb8;
	[tilespmem:$0x16180] =	vst v63  }
0x4e: {  	_ =	swait.ge [sflag:s12], $0x2800  }
0x4f: {  	[sflag:s12] =	ssyncset.done $0x0  }
0x50: {  	[sflag:s12] =	ssyncadd.s32 $0xFFFFD800  }
0x51: {  	[spmem:s3] =	stream.indirect.scatter.add.f32 [tilespmem:s26], [sflag:$0x2], $0x80, s30, s31, $0xb8;
	[tilespmem:$0x16180] =	vst v63  }
0x52: {  	s10 =	sadd.s32 $0x50, s15;
	_ =	swait.ge [sflag:s28], $0x2800  }
0x53: {  	s7 =	simm.s32 $0xA0;
	s6 =	sshrl.u32 s10, $0x3;
	[sflag:s28] =	ssyncset.done $0x0  }
.LBB2_2:
0x54: {  	s8 =	sadd.s32 s1, s6  }
0x55: {  	[sflag:s28] =	ssyncadd.s32 $0xFFFFD800;
	s9 =	smov.u32 s7;
	s10 =	sadd.s32 $0x50, s7  }
0x56: {  	[tilespmem:s29], [sflag:$0x2] =	stream.linear.gather [hbm4b:s8+s4], $0x50, $0x38;
	[tilespmem:$0x16180] =	vst v63  }
0x57: {  	p0 =	sne.s32 s7, $0x26C0;
	_ =	swait.ge [sflag:s28], $0x50  }
0x58: {  	[sflag:s28] =	ssyncset.done $0x0  }
0x59: {  	s6 =	sadd.s32 s2, s6;
	[sflag:s28] =	ssyncadd.s32 $0xFFFFFFB0  }
0x5a: {  	[tilespmem:s30], [sflag:$0x2] =	stream.linear.gather [hbm4b:s6+s4], $0x50, $0x38;
	[tilespmem:$0x16180] =	vst v63  }
0x5b: {  	_ =	swait.ge [sflag:s28], $0x50  }
0x5c: {  	[sflag:s28] =	ssyncset.done $0x0  }
0x5d: {  	[sflag:s28] =	ssyncadd.s32 $0xFFFFFFB0  }
0x5e: {  	[tilespmem:s26], [sflag:$0x1] =	stream.indirect.gather [hbm4b:s0+s31], $0x80, s29, s31, $0xb8;
	[tilespmem:$0x16180] =	vst v63  }
0x5f: {  	_ =	swait.ge [sflag:s12], $0x2800  }
.Ltmp0:
0x60: {  	[sflag:s12] =	ssyncset.done $0x0;
	(pc) =	sbr.rel @p0 .LBB2_2-.Ltmp0, $4  }
0x61: {  	[sflag:s12] =	ssyncadd.s32 $0xFFFFD800  }
0x62: {  	[spmem:s3] =	stream.indirect.scatter.add.f32 [tilespmem:s26], [sflag:$0x2], $0x80, s30, s31, $0xb8;
	[tilespmem:$0x16180] =	vst v63  }
0x63: {  	s6 =	sadd.s32 s9, s15;
	_ =	swait.ge [sflag:s28], $0x2800  }
0x64: {  	s7 =	smov.u32 s10;
	s6 =	sshrl.u32 s6, $0x3;
	[sflag:s28] =	ssyncset.done $0x0  }
0x65: {  	s7 =	sadd.s32 s1, s6;
	[sflag:s28] =	ssyncadd.s32 $0xFFFFD800  }
0x66: {  	[tilespmem:s29], [sflag:$0x2] =	stream.linear.gather [hbm4b:s7+s4], $0x50, $0x38;
	[tilespmem:$0x16180] =	vst v63  }
0x67: {  	_ =	swait.ge [sflag:s28], $0x50  }
0x68: {  	[sflag:s28] =	ssyncset.done $0x0  }
0x69: {  	s9 =	sadd.s32 s2, s6;
	[sflag:s28] =	ssyncadd.s32 $0xFFFFFFB0  }
0x6a: {  	[tilespmem:s30], [sflag:$0x2] =	stream.linear.gather [hbm4b:s9+s4], $0x50, $0x38;
	[tilespmem:$0x16180] =	vst v63  }
0x6b: {  	_ =	swait.ge [sflag:s28], $0x50  }
0x6c: {  	[sflag:s28] =	ssyncset.done $0x0  }
0x6d: {  	[sflag:s28] =	ssyncadd.s32 $0xFFFFFFB0  }
0x6e: {  	[tilespmem:s26], [sflag:$0x1] =	stream.indirect.gather [hbm4b:s0+s31], $0x80, s29, s31, $0xb8;
	[tilespmem:$0x16180] =	vst v63  }
0x6f: {  	_ =	swait.ge [sflag:s12], $0x2800  }
0x70: {  	[sflag:s12] =	ssyncset.done $0x0  }
0x71: {  	[sflag:s12] =	ssyncadd.s32 $0xFFFFD800  }
0x72: {  	[spmem:s3] =	stream.indirect.scatter.add.f32 [tilespmem:s26], [sflag:$0x2], $0x80, s30, s31, $0xb8;
	[tilespmem:$0x16180] =	vst v63  }
0x73: {  	_ =	swait.ge [sflag:s28], $0x2800  }
0x74: {  	[sflag:s28] =	ssyncset.done $0x0  }
0x75: {  	[sflag:s28] =	ssyncadd.s32 $0xFFFFD800  }
0x76: {  	[bflag:$0x0] =	sbarrier.arrive $0xFFFF  }
0x77: {  	[tilespmem:s26], [sflag:$0x2] =	stream.linear.gather [spmem:s17], $0x2800, $0x38;
	[tilespmem:$0x16180] =	vst v63  }
0x78: {  	_ =	swait.ge [sflag:s28], $0x2800  }
0x79: {  	[sflag:s28] =	ssyncset.done $0x0  }
0x7a: {  	s10 =	rddreg [dreg:$0x6];
	[sflag:s28] =	ssyncadd.s32 $0xFFFFD800  }
0x7b: {  	[hbm4b:s10+s4] =	stream.linear.scatter [tilespmem:s26], [sflag:$0x2], $0x2800, $0x38;
	[tilespmem:$0x16180] =	vst v63  }
0x7c: {  	_ =	swait.ge [sflag:s28], $0x2800  }
0x7d: {  	[sflag:s28] =	ssyncset.done $0x0  }
0x7e: {  	[sflag:s28] =	ssyncadd.s32 $0xFFFFD800  }
0x7f: {  	[tilespmem:s26], [sflag:$0x2] =	stream.linear.gather [spmem:s18], $0x2800, $0x38;
	[tilespmem:$0x16180] =	vst v63  }
0x80: {  	_ =	swait.ge [sflag:s28], $0x2800  }
0x81: {  	[sflag:s28] =	ssyncset.done $0x0  }
0x82: {  	s7 =	rddreg [dreg:$0x7];
	[sflag:s28] =	ssyncadd.s32 $0xFFFFD800  }
0x83: {  	[hbm4b:s7+s4] =	stream.linear.scatter [tilespmem:s26], [sflag:$0x2], $0x2800, $0x38;
	[tilespmem:$0x16180] =	vst v63  }
0x84: {  	_ =	swait.ge [sflag:s28], $0x2800  }
0x85: {  	[sflag:s28] =	ssyncset.done $0x0  }
0x86: {  	[sflag:s28] =	ssyncadd.s32 $0xFFFFD800  }
0x87: {  	[tilespmem:s26], [sflag:$0x2] =	stream.linear.gather [spmem:s19], $0x2800, $0x38;
	[tilespmem:$0x16180] =	vst v63  }
0x88: {  	_ =	swait.ge [sflag:s28], $0x2800  }
0x89: {  	[sflag:s28] =	ssyncset.done $0x0  }
0x8a: {  	s8 =	rddreg [dreg:$0x8];
	[sflag:s28] =	ssyncadd.s32 $0xFFFFD800  }
0x8b: {  	[hbm4b:s8+s4] =	stream.linear.scatter [tilespmem:s26], [sflag:$0x2], $0x2800, $0x38;
	[tilespmem:$0x16180] =	vst v63  }
0x8c: {  	_ =	swait.ge [sflag:s28], $0x2800  }
0x8d: {  	[sflag:s28] =	ssyncset.done $0x0  }
0x8e: {  	[sflag:s28] =	ssyncadd.s32 $0xFFFFD800  }
0x8f: {  	[tilespmem:s26], [sflag:$0x2] =	stream.linear.gather [spmem:s20], $0x2800, $0x38;
	[tilespmem:$0x16180] =	vst v63  }
0x90: {  	_ =	swait.ge [sflag:s28], $0x2800  }
0x91: {  	[sflag:s28] =	ssyncset.done $0x0  }
0x92: {  	s9 =	rddreg [dreg:$0x9];
	[sflag:s28] =	ssyncadd.s32 $0xFFFFD800  }
0x93: {  	[hbm4b:s9+s4] =	stream.linear.scatter [tilespmem:s26], [sflag:$0x2], $0x2800, $0x38;
	[tilespmem:$0x16180] =	vst v63  }
0x94: {  	_ =	swait.ge [sflag:s28], $0x2800  }
0x95: {  	[sflag:s28] =	ssyncset.done $0x0  }
0x96: {  	[sflag:s28] =	ssyncadd.s32 $0xFFFFD800  }
0x97: {  	[tilespmem:s26], [sflag:$0x2] =	stream.linear.gather [spmem:s21], $0x2800, $0x38;
	[tilespmem:$0x16180] =	vst v63  }
0x98: {  	_ =	swait.ge [sflag:s28], $0x2800  }
0x99: {  	[sflag:s28] =	ssyncset.done $0x0  }
0x9a: {  	s10 =	rddreg [dreg:$0xa];
	[sflag:s28] =	ssyncadd.s32 $0xFFFFD800  }
0x9b: {  	[hbm4b:s10+s4] =	stream.linear.scatter [tilespmem:s26], [sflag:$0x2], $0x2800, $0x38;
	[tilespmem:$0x16180] =	vst v63  }
0x9c: {  	_ =	swait.ge [sflag:s28], $0x2800  }
0x9d: {  	[sflag:s28] =	ssyncset.done $0x0  }
0x9e: {  	[sflag:s28] =	ssyncadd.s32 $0xFFFFD800  }
0x9f: {  	[tilespmem:s26], [sflag:$0x2] =	stream.linear.gather [spmem:s22], $0x2800, $0x38;
	[tilespmem:$0x16180] =	vst v63  }
0xa0: {  	_ =	swait.ge [sflag:s28], $0x2800  }
0xa1: {  	[sflag:s28] =	ssyncset.done $0x0  }
0xa2: {  	[sflag:s28] =	ssyncadd.s32 $0xFFFFD800  }
0xa3: {  	[hbm4b:s11+s4] =	stream.linear.scatter [tilespmem:s26], [sflag:$0x2], $0x2800, $0x38;
	[tilespmem:$0x16180] =	vst v63  }
0xa4: {  	_ =	swait.ge [sflag:s28], $0x2800  }
0xa5: {  	[sflag:s28] =	ssyncset.done $0x0  }
0xa6: {  	[sflag:s28] =	ssyncadd.s32 $0xFFFFD800  }
0xa7: {  	[tilespmem:s26], [sflag:$0x2] =	stream.linear.gather [spmem:s23], $0x2800, $0x38;
	[tilespmem:$0x16180] =	vst v63  }
0xa8: {  	_ =	swait.ge [sflag:s28], $0x2800  }
0xa9: {  	[sflag:s28] =	ssyncset.done $0x0  }
0xaa: {  	[sflag:s28] =	ssyncadd.s32 $0xFFFFD800  }
0xab: {  	[hbm4b:s13+s4] =	stream.linear.scatter [tilespmem:s26], [sflag:$0x2], $0x2800, $0x38;
	[tilespmem:$0x16180] =	vst v63  }
0xac: {  	_ =	swait.ge [sflag:s28], $0x2800  }
0xad: {  	[sflag:s28] =	ssyncset.done $0x0  }
0xae: {  	[sflag:s28] =	ssyncadd.s32 $0xFFFFD800  }
0xaf: {  	[tilespmem:s26], [sflag:$0x2] =	stream.linear.gather [spmem:s24], $0x2800, $0x38;
	[tilespmem:$0x16180] =	vst v63  }
0xb0: {  	s5 =	sadd.s32 $0x1, s5;
	_ =	swait.ge [sflag:s28], $0x2800  }
0xb1: {  	p0 =	sne.s32 s5, s25;
	[sflag:s28] =	ssyncset.done $0x0  }
.Ltmp1:
0xb2: {  	[sflag:s28] =	ssyncadd.s32 $0xFFFFD800;
	(pc) =	sbr.rel @p0 .LBB2_1-.Ltmp1, $4  }
0xb3: {  	[hbm4b:s14+s4] =	stream.linear.scatter [tilespmem:s26], [sflag:$0x2], $0x2800, $0x38;
	[tilespmem:$0x16180] =	vst v63  }
0xb4: {  	_ =	swait.ge [sflag:s28], $0x2800  }
0xb5: {  	[sflag:s28] =	ssyncset.done $0x0  }
0xb6: {  	[sflag:s28] =	ssyncadd.s32 $0xFFFFD800  }
0xb7: {  	_ =	sfence.sel $0x180000  }
0xb8: {  	[bflag:$0x0] =	sbarrier.arrive $0xFFFF  }
0xb9: {  	_ =	strace $0x90000047  }
0xba: {  	s0 =	stileid.u32;
	[bflag:$0x2] =	sbarrier.arrive $0xFFFF  }
0xbb: {  	p0 =	sne.s32 s0, $0x0;
	s0 =	rddreg [dreg:$0x5]  }
0xbc: {  	s0 =	sadd.s32 @!p0 $0x100000, s0  }
0xbd: {  	[sflag:s0] =	ssyncadd.tile.s32 @!p0 $0x1;
	_ =	shalt  }
.Lfunc_end2:
_tile_overlayer_lowered:
.L_overlay_start_2:
0xbe: {  	(tag) =	ssettag $0x2  }
0xbf: {  	s0 =	rddreg [dreg:$0x0];
	s2 =	stileid.u32  }
0xc0: {  	s1 =	rddreg [dreg:$0x1];
	p0 =	sne.s32 s2, $0x0  }
0xc1: {  	s3 =	rddreg [dreg:$0x2];
	[bflag:$0x3] =	sbarrier.arrive $0xFFFF;
	s2 =	simm.s32 @!p0 $0x1C02  }
0xc2: {  	[timem:s3], [sflag:s2] =	dma.local @!p0 [hbm:s0], s1  }
0xc3: {  	s0 =	simm.s32 @!p0 $0x2  }
0xc4: {  	_ =	swait.ge @!p0 [sflag:s0], s1  }
0xc5: {  	s1 =	ssub.s32 @!p0 $0x0, s1;
	[sflag:s0] =	ssyncset.done @!p0 $0x0  }
0xc6: {  	[sflag:s0] =	ssyncadd.s32 @!p0 s1  }
0xc7: {  	[bflag:$0x3] =	sbarrier.arrive $0xFFFF  }
0xc8: {  	_ =	shalt  }

// kernel: kernel.9.cloned.1.call-start
scs
__scs_entry_jumppad:
0x0: {  	(pc) =	sbr.rel $0x88, $3  }
0x1: {  	(tag) =	ssettag $0x0;
	lr =	simm.s32 $0x1  }
0x2: {  	[smem:$0x3F9A] =	sst lr;
	_ =	strace $0xD0000000  }
0x3: {  	_ = 	snop  }
0x4: {  	_ = 	snop  }
0x5: {  	_ = 	snop  }
0x6: {  	_ = 	snop  }
0x7: {  	_ = 	snop  }
__scs_overlays_trampoline_lowered:
0x8: {  	[smem:$0x3FA9] =	sst s0  }
0x9: {  	[smem:$0x3FAA] =	sst s1  }
0xa: {  	[smem:$0x3FAB] =	sst s2  }
0xb: {  	[smem:$0x3FAC] =	sst s3  }
0xc: {  	[smem:$0x3FAD] =	sst s4  }
0xd: {  	[smem:$0x3FAE] =	sst s5  }
0xe: {  	[smem:$0x3FAF] =	sst s6  }
0xf: {  	[smem:$0x3FB0] =	sst s7  }
0x10: {  	[smem:$0x3FB1] =	sst s8  }
0x11: {  	[smem:$0x3FB2] =	sst s9;
	s0 =	simm.s32 @!p0 $0x0  }
0x12: {  	s1 =	sld [smem:$0x3F98];
	s0 =	simm.s32 @p0 $0x1  }
0x13: {  	[smem:$0x3FB3] =	sst s0;
	s0 =	simm.s32 @!p1 $0x0  }
0x14: {  	s2 =	sld [smem:$0x3F97];
	s0 =	simm.s32 @p1 $0x1  }
0x15: {  	[smem:$0x3FB4] =	sst s0;
	s0 =	simm.s32 @!p2 $0x0  }
0x16: {  	s3 =	sld [smem:$0x3FDB];
	s0 =	simm.s32 @p2 $0x1  }
0x17: {  	s4 =	simm.s32 $0x1BF5;
	[smem:$0x3FB6] =	sst s0  }
0x18: {  	s0 =	sld [smem:$0x3F99];
	_ =	swait.ge [sflag:s4], $0x0  }
0x19: {  	s7 =	sld [smem:$0x3F9A]  }
0x1a: {  	s8 =	sadd.s32 $0xFFFFE003, lr  }
0x1b: {  	s9 =	sadd.s32 $0xFFFFFEF7, lr;
	s5 =	simm.s32 $0xFFFFFFFF;
	p2 =	slt.u32 s8, $0xFFFFF086  }
0x1c: {  	p1 =	slt.u32 s9, $0xF7A;
	s5 =	simm.s32 @!p2 $0x0  }
0x1d: {  	s5 =	simm.s32 @p1 $0x1;
	p0 =	seq.s32 s7, s2  }
0x1e: {  	s7 =	smul.u32 @!p0 $0xF7A, s2;
	p2 =	seq.s32 @!p0 s5, $0x0  }
0x1f: {  	s9 =	smul.u32 $0xF7A, s1;
	s8 =	simm.s32 @!p0 $0x1BF5;
	p2 =	por !p2, p0  }
0x20: {  	[sflag:s8] =	ssyncset.s32 @!p0 $0xFFFFF086;
	s6 =	sadd.s32 @!p0 s3, s7;
	s7 =	simm.s32 @!p0 $0x108  }
0x21: {  	s3 =	sadd.s32 s3, s9;
	s6 =	sadd.s32 @!p0 $0x88, s6;
	s7 =	simm.s32 @p2 $0x1082  }
0x22: {  	[simem:s7], [sflag:s8] =	dma.local @!p0 [hbm:s6], $0xF7A  }
0x23: {  	s9 =	sor.u32 $0xD0000000, s2;
	s6 =	simm.s32 $0x108;
	_ =	swait.ge @!p0 [sflag:s8], $0x0  }
0x24: {  	s3 =	sadd.s32 $0x88, s3;
	s6 =	simm.s32 @!p1 $0x1082;
	[sflag:s4] =	ssyncset.s32 $0xFFFFF086  }
0x25: {  	[simem:s6], [sflag:s4] =	dma.local [hbm:s3], $0xF7A  }
0x26: {  	[smem:$0x3F9A] =	sst s1;
	(tag) =	ssettag s2;
	_ =	strace s9  }
0x27: {  	s1 =	sld [smem:$0x3FAA]  }
0x28: {  	s2 =	sld [smem:$0x3FAB]  }
0x29: {  	s4 =	sld [smem:$0x3FAD]  }
0x2a: {  	p0 =	seq.s32 s5, $0x0;
	s5 =	sld [smem:$0x3FAE]  }
0x2b: {  	s6 =	sld [smem:$0x3FAF]  }
0x2c: {  	s7 =	sld [smem:$0x3FB0]  }
0x2d: {  	s3 =	simm.s32 $0x108;
	s8 =	sld [smem:$0x3FB1]  }
0x2e: {  	s3 =	simm.s32 @!p0 $0x1082;
	s9 =	sld [smem:$0x3FB2]  }
0x2f: {  	lr =	sadd.s32 s0, s3;
	s0 =	sld [smem:$0x3FA9]  }
0x30: {  	s3 =	sld [smem:$0x3FAC]  }
0x31: {  	[smem:$0x3FB5] =	sst s10  }
0x32: {  	s10 =	sld [smem:$0x3FB3];
	_ =	sdelay $0x3  }
0x33: {  	p0 =	seq.s32 s10, $0x1;
	s10 =	sld [smem:$0x3FB5];
	_ =	sdelay $0x3  }
0x34: {  	[smem:$0x3FB5] =	sst s10  }
0x35: {  	s10 =	sld [smem:$0x3FB4];
	_ =	sdelay $0x3  }
0x36: {  	p1 =	seq.s32 s10, $0x1;
	s10 =	sld [smem:$0x3FB5];
	_ =	sdelay $0x3  }
0x37: {  	[smem:$0x3FB5] =	sst s10  }
0x38: {  	s10 =	sld [smem:$0x3FB6]  }
0x39: {  	_ = 	snop;
	(pc) =	sbr.ind lr, $3  }
0x3a: {  	_ = 	snop  }
0x3b: {  	_ = 	snop  }
0x3c: {  	p2 =	seq.s32 s10, $0x1;
	s10 =	sld [smem:$0x3FB5]  }
0x3d: {  	_ =	shalt  }
0x3e: {  	_ =	shalt  }
0x3f: {  	_ =	shalt  }
0x40: {  	_ =	shalt  }
0x41: {  	_ =	shalt  }
0x42: {  	_ =	shalt  }
0x43: {  	_ =	shalt  }
0x44: {  	_ =	shalt  }
0x45: {  	_ =	shalt  }
0x46: {  	_ =	shalt  }
0x47: {  	_ =	shalt  }
0x48: {  	_ =	shalt  }
0x49: {  	_ =	shalt  }
0x4a: {  	_ =	shalt  }
0x4b: {  	_ =	shalt  }
0x4c: {  	_ =	shalt  }
0x4d: {  	_ =	shalt  }
0x4e: {  	_ =	shalt  }
0x4f: {  	_ =	shalt  }
0x50: {  	_ =	shalt  }
0x51: {  	_ =	shalt  }
0x52: {  	_ =	shalt  }
0x53: {  	_ =	shalt  }
0x54: {  	_ =	shalt  }
0x55: {  	_ =	shalt  }
0x56: {  	_ =	shalt  }
0x57: {  	_ =	shalt  }
0x58: {  	_ =	shalt  }
0x59: {  	_ =	shalt  }
0x5a: {  	_ =	shalt  }
0x5b: {  	_ =	shalt  }
0x5c: {  	_ =	shalt  }
0x5d: {  	_ =	shalt  }
0x5e: {  	_ =	shalt  }
0x5f: {  	_ =	shalt  }
0x60: {  	_ =	shalt  }
0x61: {  	_ =	shalt  }
0x62: {  	_ =	shalt  }
0x63: {  	_ =	shalt  }
0x64: {  	_ =	shalt  }
0x65: {  	_ =	shalt  }
0x66: {  	_ =	shalt  }
0x67: {  	_ =	shalt  }
0x68: {  	_ =	shalt  }
0x69: {  	_ =	shalt  }
0x6a: {  	_ =	shalt  }
0x6b: {  	_ =	shalt  }
0x6c: {  	_ =	shalt  }
0x6d: {  	_ =	shalt  }
0x6e: {  	_ =	shalt  }
0x6f: {  	_ =	shalt  }
0x70: {  	_ =	shalt  }
0x71: {  	_ =	shalt  }
0x72: {  	_ =	shalt  }
0x73: {  	_ =	shalt  }
0x74: {  	_ =	shalt  }
0x75: {  	_ =	shalt  }
0x76: {  	_ =	shalt  }
0x77: {  	_ =	shalt  }
0x78: {  	_ =	shalt  }
0x79: {  	_ =	shalt  }
0x7a: {  	_ =	shalt  }
0x7b: {  	_ =	shalt  }
0x7c: {  	_ =	shalt  }
0x7d: {  	_ =	shalt  }
0x7e: {  	_ =	shalt  }
0x7f: {  	_ =	shalt  }
0x80: {  	_ =	shalt  }
0x81: {  	_ =	shalt  }
0x82: {  	_ =	shalt  }
0x83: {  	_ =	shalt  }
0x84: {  	_ =	shalt  }
0x85: {  	_ =	shalt  }
0x86: {  	_ =	shalt  }
0x87: {  	_ =	shalt  }
.Lfunc_end0:
.L_simem_size_0:
called_computation.1_lowered:
.L_overlay_start_0:
0x88: {  	s2 =	sld [smem:$0x3FD9]  }
0x89: {  	s3 =	sld [smem:$0x3FFE];
	_ =	sdelay $0x1  }
0x8a: {  	s1 =	srdreg.scid  }
0x8b: {  	s0 =	sand.u32 $0x1, s1  }
0x8c: {  	s15 =	sshll.u32 s0, $0xA;
	s2 =	sadd.s32 s3, s2  }
0x8d: {  	s2 =	sadd.s32 s2, s15  }
0x8e: {  	[smem:$0x3FC1] =	sst s2  }
0x8f: {  	_ = 	snop  }
0x90: {  	s2 =	sld [smem:$0x3FD0];
	_ =	sdelay $0x2  }
0x91: {  	s16 =	simm.s32 $0xB;
	s4 =	simm.s32 $0x10  }
0x92: {  	[smem:s4], [sflag:s16] =	dma.local [hbm:s2], $0x1  }
0x93: {  	_ =	swait.eq [sflag:s16], $0x1  }
0x94: {  	[sflag:s16] =	ssyncset.done $0x0  }
0x95: {  	[sflag:s16] =	ssyncadd.s32 $0xFFFFFFFF  }
0x96: {  	s17 =	sld [smem:$0x11];
	(tm) =	ssettm $0x1  }
0x97: {  	s18 =	sld [smem:$0x3FFB];
	_ =	sdelay $0x3  }
0x98: {  	_ =	strace s18  }
0x99: {  	s2 =	sld [smem:$0x3FFC];
	_ =	sdelay $0x3  }
0x9a: {  	_ =	strace s2  }
0x9b: {  	s2 =	sld [smem:$0x3FFD];
	_ =	sdelay $0x3  }
0x9c: {  	_ =	strace s2  }
0x9d: {  	_ =	strace $0x8FFFFFFF  }
0x9e: {  	s19 =	sld [smem:$0x3FDB];
	_ =	sdelay $0x1  }
0x9f: {  	s20 =	simm.s32 $_scs_section_size  }
0xa0: {  	s5 =	simm.s32 $_size__tile_overlayer_lowered;
	s6 =	simm.s32 $_tile_overlayer_lowered  }
0xa1: {  	s7 =	simm.s32 $0x1BFF;
	s21 =	sshll.u32 s6, $0x1;
	s4 =	sadd.s32 s20, s19  }
0xa2: {  	s22 =	simm.s32 $0x0;
	s5 =	sshll.u32 s5, $0x1;
	s6 =	sadd.s32 s21, s4  }
0xa3: {  	[timem:s22], [sflag:s7] =	dma.local [hbm:s6], s5  }
0xa4: {  	_ =	swait.ge [sflag:s7], s5  }
0xa5: {  	s5 =	ssub.s32 $0x0, s5;
	[sflag:s7] =	ssyncset.done $0x0  }
0xa6: {  	[sflag:s7] =	ssyncadd.s32 s5;
	_ =	sdelay $0x1  }
0xa7: {  	s23 =	simm.s32 $0x1B8B  }
0xa8: {  	_ =	swait.ge [sflag:s23], $0x1  }
0xa9: {  	[sflag:s23] =	ssyncset.done $0x0  }
0xaa: {  	[sflag:s23] =	ssyncadd.s32 $0xFFFFFFFF  }
0xab: {  	s5 =	sld [smem:$0x0]  }
0xac: {  	s6 =	sand.u32 $0xFFFFFFFE, s1  }
0xad: {  	p0 =	sne.s32 s1, s6  }
0xae: {  	s6 =	sshll.u32 @p0 s6, $0xE  }
0xaf: {  	s6 =	sadd.s32 @p0 $0x11B8D, s6;
	s7 =	sshll.u32 @p0 s5, $0x11  }
0xb0: {  	s6 =	sor.u32 @p0 s7, s6  }
0xb1: {  	[sflag:s6] =	ssyncadd.remote.s32 @p0 $0x1;
	_ =	sdelay $0x1  }
0xb2: {  	s6 =	simm.s32 @p0 $0x1B8D  }
0xb3: {  	_ =	swait.eq @p0 [sflag:s6], $0x1  }
0xb4: {  	[sflag:s6] =	ssyncadd.s32 @p0 $0xFFFFFFFF  }
0xb5: {  	s7 =	sshll.u32 @!p0 s1, $0xE  }
0xb6: {  	s7 =	sor.u32 @!p0 $0x4000, s7;
	s6 =	simm.s32 @!p0 $0x1B8D  }
0xb7: {  	s5 =	sshll.u32 @!p0 s5, $0x11;
	s7 =	sadd.s32 @!p0 $0x11B8D, s7;
	_ =	swait.eq @!p0 [sflag:s6], $0x1  }
0xb8: {  	s5 =	sor.u32 @!p0 s5, s7;
	[sflag:s6] =	ssyncadd.s32 @!p0 $0xFFFFFFFF  }
0xb9: {  	s25 =	simm.s32 $0x1B8E;
	s24 =	sld [smem:$0x3FFE];
	[sflag:s5] =	ssyncadd.remote.s32 @!p0 $0x1  }
0xba: {  	s26 =	simm.s32 $execute0_lowered;
	[smem:$0x3FD2] =	sst s25  }
0xbb: {  	s6 =	sshll.u32 s26, $0x1;
	_ =	strace $0x80000049;
	[dreg:$0x1] =	wrdreg $0xFFFFFFFF  }
0xbc: {  	s28 =	simm.s32 $_size_execute0_lowered;
	s4 =	sadd.s32 s4, s6;
	[dreg:$0x0] =	wrdreg $0x0  }
0xbd: {  	s6 =	sshll.u32 s28, $0x1;
	[dreg:$0x2] =	wrdreg s4  }
0xbe: {  	[dreg:$0x3] =	wrdreg s6  }
0xbf: {  	[dreg:$0x4] =	wrdreg $0xC0  }
0xc0: {  	_ =	task [dreg:s22], $0x5FFFF  }
0xc1: {  	[dreg:$0x1] =	wrdreg $0xFFFFFFFF  }
0xc2: {  	[dreg:$0x0] =	wrdreg $0x60  }
0xc3: {  	[dreg:$0x2] =	wrdreg s17  }
0xc4: {  	[dreg:$0x3] =	wrdreg s24  }
0xc5: {  	[dreg:$0x4] =	wrdreg $0x0  }
0xc6: {  	[dreg:$0x5] =	wrdreg $0xA  }
0xc7: {  	_ =	task.clear_ibuf [dreg:s22], $0x6FFFF;
	_ =	strace $0x90000049  }
0xc8: {  	s29 =	simm.s32 $0xA;
	_ =	strace $0x8000004B  }
0xc9: {  	_ =	swait.ge [sflag:s29], $0x1  }
0xca: {  	[sflag:s29] =	ssyncadd.s32 $0xFFFFFFFF  }
0xcb: {  	_ =	strace $0x9000004B  }
0xcc: {  	_ =	sfence  }
0xcd: {  	s30 =	sld [smem:$0x0];
	_ =	sdelay $0x2  }
0xce: {  	s31 =	sshll.u32 s1, $0xD;
	s1 =	sshrl.u32 s1, $0x2  }
0xcf: {  	s4 =	sand.u32 $0x4000, s31;
	s1 =	sadd.s32 s1, s30  }
0xd0: {  	s0 =	sor.u32 s4, s0;
	s1 =	sshll.u32 s1, $0x11  }
0xd1: {  	s0 =	sor.u32 s1, s0  }
0xd2: {  	s0 =	sadd.s32 $0x8F2B, s0  }
0xd3: {  	[sflag:s0] =	ssyncadd.remote.s32 $0x1  }
0xd4: {  	_ =	sfence.sel $0xFFFF  }
0xd5: {  	[dreg:$0x0] =	wrdreg $0xFFFFFFFF;
	(pc) =	sbr.abs _section_cstart, $3  }
0xd6: {  	[dreg:$0x1] =	wrdreg $0xFFFFFFFF  }
0xd7: {  	_ =	task.clear_ibuf [dreg:s22], $0x2FFFF;
	_ =	strace $0x9FFFFFFF  }
0xd8: {  	(tm) =	ssettm $0x7FFFFFFF  }
0xd9: {  	_ =	shalt  }
tec
execute0_lowered:
.L_overlay_start_1:
0x0: {  	(tag) =	ssettag $0x1  }
0x1: {  	s1 =	rddreg [dreg:$0x0]  }
0x2: {  	s0 =	rddreg [dreg:$0x1]  }
0x3: {  	s2 =	rddreg [dreg:$0x2];
	s4 =	simm.s32 $0x0;
	s3 =	srdreg.scid  }
0x4: {  	s5 =	stileid.u32;
	s28 =	simm.s32 $0x13900;
	s29 =	simm.s32 $0x13880  }
0x5: {  	s30 =	simm.s32 $0x50;
	s31 =	simm.s32 $0x0;
	[smem:$0x7FF] =	sst s4  }
0x6: {  	s3 =	sand.u32 $0x1, s3;
	s6 =	sadd.s32 $0x4FA00, s0;
	s12 =	smul.u32 $0x2800, s5  }
0x7: {  	s23 =	sadd.s32 $0x1200, s0;
	s9 =	smul.u32 $0xA000, s5;
	s0 =	sadd.s32 $0x50000, s0  }
0x8: {  	s10 =	sadd.s32 $0xFFFFFFF3, s5;
	_ =	strace $0x8000004A;
	[dreg:$0x4] =	wrdreg s6  }
0x9: {  	s7 =	ssub.s32 $0x2, s3;
	[dreg:$0x5] =	wrdreg s23;
	s20 =	smul.u32 $0x138800, s3  }
0xa: {  	s17 =	smin.u32 s5, s10;
	s3 =	smul.u32 $0x27100, s3;
	s8 =	sshrl.u32 s7, $0x1  }
0xb: {  	s13 =	sadd.s32 $0x28000, s12;
	s24 =	sshra.s32 s9, $0x2;
	s14 =	sadd.s32 $0x50000, s12  }
0xc: {  	s15 =	sadd.s32 $0x78000, s12;
	s16 =	sadd.s32 $0xA0000, s12;
	s17 =	smul.u32 $0x2800, s17  }
0xd: {  	s18 =	sadd.s32 $0xC8000, s12;
	s19 =	sadd.s32 $0xF0000, s12;
	s23 =	ssub.s32 s7, s8  }
0xe: {  	s25 =	sand.u32 $0x3FFFF800, s13;
	s7 =	sadd.s32 s24, s2;
	s26 =	sand.u32 $0x3FFFF800, s14  }
0xf: {  	s11 =	sand.u32 $0x3FFFF800, s15;
	s6 =	sand.u32 $0x3FFFF800, s16;
	s21 =	sand.u32 $0x3FFFF800, s18  }
0x10: {  	s22 =	sand.u32 $0x3FFFF800, s19;
	s12 =	sadd.s32 s12, s20;
	s13 =	sadd.s32 s20, s13  }
0x11: {  	s14 =	sadd.s32 s20, s14;
	s15 =	sadd.s32 s20, s15;
	s16 =	sadd.s32 s20, s16  }
0x12: {  	s18 =	sadd.s32 s20, s18;
	s19 =	sadd.s32 s20, s19;
	s8 =	sadd.s32 s25, s2  }
0x13: {  	s9 =	sadd.s32 s26, s2;
	s10 =	sadd.s32 s11, s2;
	s11 =	sadd.s32 s6, s2  }
0x14: {  	s24 =	sadd.s32 $0x118000, s17;
	s12 =	sshrl.u32 s12, $0x3;
	s13 =	sshrl.u32 s13, $0x3  }
0x15: {  	s14 =	sshrl.u32 s14, $0x3;
	s15 =	sshrl.u32 s15, $0x3;
	s16 =	sshrl.u32 s16, $0x3  }
0x16: {  	s17 =	sshrl.u32 s18, $0x3;
	s18 =	sshrl.u32 s19, $0x3;
	s25 =	smul.u32 $0x2710, s5  }
0x17: {  	s23 =	smax.u32 s23, $0x1;
	s12 =	sadd.s32 s0, s12;
	s13 =	sadd.s32 s0, s13  }
0x18: {  	s14 =	sadd.s32 s0, s14;
	s15 =	sadd.s32 s0, s15;
	s16 =	sadd.s32 s0, s16  }
0x19: {  	s17 =	sadd.s32 s0, s17;
	s20 =	sadd.s32 s20, s24;
	s18 =	sadd.s32 s0, s18  }
0x1a: {  	s26 =	sand.u32 $0x3FFFF800, s24;
	s19 =	sshrl.u32 s20, $0x3;
	s20 =	sadd.s32 s21, s2  }
0x1b: {  	s21 =	sadd.s32 s22, s2;
	s22 =	sadd.s32 s26, s2;
	s24 =	sadd.s32 s25, s3  }
0x1c: {  	s25 =	simm.s32 $0x16100;
	s26 =	simm.s32 $0x1;
	s19 =	sadd.s32 s0, s19  }
.LBB2_1:
0x1d: {  	s0 =	rddreg [dreg:$0x5]  }
0x1e: {  	[tilespmem:s25], [sflag:$0x1] =	stream.linear.gather [hbm4b:s0+s4], $0x2800, $0x38;
	[tilespmem:$0x18900] =	vst v63  }
0x1f: {  	_ =	swait.ge [sflag:s26], $0x2800  }
0x20: {  	[sflag:s26] =	ssyncset.done $0x0  }
0x21: {  	[sflag:s26] =	ssyncadd.s32 $0xFFFFD800  }
0x22: {  	[spmem:s7] =	stream.linear.scatter [tilespmem:s25], [sflag:$0x1], $0x2800, $0x38;
	[tilespmem:$0x18900] =	vst v63  }
0x23: {  	_ =	swait.ge [sflag:s26], $0x2800  }
0x24: {  	[sflag:s26] =	ssyncset.done $0x0  }
0x25: {  	[sflag:s26] =	ssyncadd.s32 $0xFFFFD800  }
0x26: {  	[spmem:s8] =	stream.linear.scatter [tilespmem:s25], [sflag:$0x1], $0x2800, $0x38;
	[tilespmem:$0x18900] =	vst v63  }
0x27: {  	_ =	swait.ge [sflag:s26], $0x2800  }
0x28: {  	[sflag:s26] =	ssyncset.done $0x0  }
0x29: {  	[sflag:s26] =	ssyncadd.s32 $0xFFFFD800  }
0x2a: {  	[spmem:s9] =	stream.linear.scatter [tilespmem:s25], [sflag:$0x1], $0x2800, $0x38;
	[tilespmem:$0x18900] =	vst v63  }
0x2b: {  	_ =	swait.ge [sflag:s26], $0x2800  }
0x2c: {  	[sflag:s26] =	ssyncset.done $0x0  }
0x2d: {  	[sflag:s26] =	ssyncadd.s32 $0xFFFFD800  }
0x2e: {  	[spmem:s10] =	stream.linear.scatter [tilespmem:s25], [sflag:$0x1], $0x2800, $0x38;
	[tilespmem:$0x18900] =	vst v63  }
0x2f: {  	_ =	swait.ge [sflag:s26], $0x2800  }
0x30: {  	[sflag:s26] =	ssyncset.done $0x0  }
0x31: {  	[sflag:s26] =	ssyncadd.s32 $0xFFFFD800  }
0x32: {  	[spmem:s11] =	stream.linear.scatter [tilespmem:s25], [sflag:$0x1], $0x2800, $0x38;
	[tilespmem:$0x18900] =	vst v63  }
0x33: {  	_ =	swait.ge [sflag:s26], $0x2800  }
0x34: {  	[sflag:s26] =	ssyncset.done $0x0  }
0x35: {  	[sflag:s26] =	ssyncadd.s32 $0xFFFFD800  }
0x36: {  	[spmem:s20] =	stream.linear.scatter [tilespmem:s25], [sflag:$0x1], $0x2800, $0x38;
	[tilespmem:$0x18900] =	vst v63  }
0x37: {  	_ =	swait.ge [sflag:s26], $0x2800  }
0x38: {  	[sflag:s26] =	ssyncset.done $0x0  }
0x39: {  	[sflag:s26] =	ssyncadd.s32 $0xFFFFD800  }
0x3a: {  	[spmem:s21] =	stream.linear.scatter [tilespmem:s25], [sflag:$0x1], $0x2800, $0x38;
	[tilespmem:$0x18900] =	vst v63  }
0x3b: {  	_ =	swait.ge [sflag:s26], $0x2800  }
0x3c: {  	[sflag:s26] =	ssyncset.done $0x0  }
0x3d: {  	[sflag:s26] =	ssyncadd.s32 $0xFFFFD800  }
0x3e: {  	[spmem:s22] =	stream.linear.scatter [tilespmem:s25], [sflag:$0x1], $0x2800, $0x38;
	[tilespmem:$0x18900] =	vst v63  }
0x3f: {  	_ =	swait.ge [sflag:s26], $0x2800  }
0x40: {  	[sflag:s26] =	ssyncset.done $0x0  }
0x41: {  	s5 =	rddreg [dreg:$0x4];
	[sflag:s26] =	ssyncadd.s32 $0xFFFFD800  }
0x42: {  	[tilespmem:s28], [sflag:$0x1] =	stream.linear.gather [hbm4b:s5+s4], $0x2800, $0x38;
	[tilespmem:$0x18900] =	vst v63  }
0x43: {  	_ =	swait.ge [sflag:s26], $0x2800  }
0x44: {  	s6 =	sadd.s32 $0x0, s24;
	[sflag:s26] =	ssyncset.done $0x0  }
0x45: {  	s0 =	sshrl.u32 s6, $0x3;
	[sflag:s26] =	ssyncadd.s32 $0xFFFFD800  }
0x46: {  	s0 =	sadd.s32 s1, s0;
	[bflag:$0x0] =	sbarrier.arrive $0xFFFF  }
0x47: {  	[tilespmem:s29], [sflag:$0x1] =	stream.linear.gather [hbm4b:s0+s4], $0x50, $0x38;
	[tilespmem:$0x18900] =	vst v63  }
0x48: {  	_ =	swait.ge [sflag:s26], $0x50  }
0x49: {  	[sflag:s26] =	ssyncset.done $0x0  }
0x4a: {  	[sflag:s26] =	ssyncadd.s32 $0xFFFFFFB0  }
0x4b: {  	[spmem:s2] =	stream.indirect.scatter.add.f32 [tilespmem:s28], [sflag:$0x1], $0x80, s29, s30, $0xb8;
	[tilespmem:$0x18900] =	vst v63  }
0x4c: {  	s3 =	sadd.s32 $0x50, s24;
	_ =	swait.ge [sflag:s26], $0x2800  }
0x4d: {  	s3 =	sshrl.u32 s3, $0x3;
	s0 =	simm.s32 $0xA0;
	[sflag:s26] =	ssyncset.done $0x0  }
.LBB2_2:
0x4e: {  	s3 =	sadd.s32 s1, s3  }
0x4f: {  	[sflag:s26] =	ssyncadd.s32 $0xFFFFD800;
	s5 =	smov.u32 s0;
	s6 =	sadd.s32 $0x50, s0  }
0x50: {  	[tilespmem:s29], [sflag:$0x1] =	stream.linear.gather [hbm4b:s3+s4], $0x50, $0x38;
	[tilespmem:$0x18900] =	vst v63  }
0x51: {  	p0 =	sne.s32 s0, $0x26C0;
	_ =	swait.ge [sflag:s26], $0x50  }
.Ltmp0:
0x52: {  	[sflag:s26] =	ssyncset.done $0x0;
	(pc) =	sbr.rel @p0 .LBB2_2-.Ltmp0, $4  }
0x53: {  	[sflag:s26] =	ssyncadd.s32 $0xFFFFFFB0  }
0x54: {  	[spmem:s2] =	stream.indirect.scatter.add.f32 [tilespmem:s28], [sflag:$0x1], $0x80, s29, s30, $0xb8;
	[tilespmem:$0x18900] =	vst v63  }
0x55: {  	s0 =	sadd.s32 s5, s24;
	_ =	swait.ge [sflag:s26], $0x2800  }
0x56: {  	s3 =	sshrl.u32 s0, $0x3;
	s0 =	smov.u32 s6;
	[sflag:s26] =	ssyncset.done $0x0  }
0x57: {  	s0 =	sadd.s32 s1, s3;
	[sflag:s26] =	ssyncadd.s32 $0xFFFFD800  }
0x58: {  	[tilespmem:s29], [sflag:$0x1] =	stream.linear.gather [hbm4b:s0+s4], $0x50, $0x38;
	[tilespmem:$0x18900] =	vst v63  }
0x59: {  	_ =	swait.ge [sflag:s26], $0x50  }
0x5a: {  	[sflag:s26] =	ssyncset.done $0x0  }
0x5b: {  	[sflag:s26] =	ssyncadd.s32 $0xFFFFFFB0  }
0x5c: {  	[spmem:s2] =	stream.indirect.scatter.add.f32 [tilespmem:s28], [sflag:$0x1], $0x80, s29, s30, $0xb8;
	[tilespmem:$0x18900] =	vst v63  }
0x5d: {  	_ =	swait.ge [sflag:s26], $0x2800  }
0x5e: {  	[sflag:s26] =	ssyncset.done $0x0  }
0x5f: {  	[sflag:s26] =	ssyncadd.s32 $0xFFFFD800  }
0x60: {  	[bflag:$0x0] =	sbarrier.arrive $0xFFFF  }
0x61: {  	[tilespmem:s25], [sflag:$0x1] =	stream.linear.gather [spmem:s7], $0x2800, $0x38;
	[tilespmem:$0x18900] =	vst v63  }
0x62: {  	_ =	swait.ge [sflag:s26], $0x2800  }
0x63: {  	[sflag:s26] =	ssyncset.done $0x0  }
0x64: {  	[sflag:s26] =	ssyncadd.s32 $0xFFFFD800  }
0x65: {  	[hbm4b:s12+s4] =	stream.linear.scatter [tilespmem:s25], [sflag:$0x1], $0x2800, $0x38;
	[tilespmem:$0x18900] =	vst v63  }
0x66: {  	_ =	swait.ge [sflag:s26], $0x2800  }
0x67: {  	[sflag:s26] =	ssyncset.done $0x0  }
0x68: {  	[sflag:s26] =	ssyncadd.s32 $0xFFFFD800  }
0x69: {  	[tilespmem:s25], [sflag:$0x1] =	stream.linear.gather [spmem:s8], $0x2800, $0x38;
	[tilespmem:$0x18900] =	vst v63  }
0x6a: {  	_ =	swait.ge [sflag:s26], $0x2800  }
0x6b: {  	[sflag:s26] =	ssyncset.done $0x0  }
0x6c: {  	[sflag:s26] =	ssyncadd.s32 $0xFFFFD800  }
0x6d: {  	[hbm4b:s13+s4] =	stream.linear.scatter [tilespmem:s25], [sflag:$0x1], $0x2800, $0x38;
	[tilespmem:$0x18900] =	vst v63  }
0x6e: {  	_ =	swait.ge [sflag:s26], $0x2800  }
0x6f: {  	[sflag:s26] =	ssyncset.done $0x0  }
0x70: {  	[sflag:s26] =	ssyncadd.s32 $0xFFFFD800  }
0x71: {  	[tilespmem:s25], [sflag:$0x1] =	stream.linear.gather [spmem:s9], $0x2800, $0x38;
	[tilespmem:$0x18900] =	vst v63  }
0x72: {  	_ =	swait.ge [sflag:s26], $0x2800  }
0x73: {  	[sflag:s26] =	ssyncset.done $0x0  }
0x74: {  	[sflag:s26] =	ssyncadd.s32 $0xFFFFD800  }
0x75: {  	[hbm4b:s14+s4] =	stream.linear.scatter [tilespmem:s25], [sflag:$0x1], $0x2800, $0x38;
	[tilespmem:$0x18900] =	vst v63  }
0x76: {  	_ =	swait.ge [sflag:s26], $0x2800  }
0x77: {  	[sflag:s26] =	ssyncset.done $0x0  }
0x78: {  	[sflag:s26] =	ssyncadd.s32 $0xFFFFD800  }
0x79: {  	[tilespmem:s25], [sflag:$0x1] =	stream.linear.gather [spmem:s10], $0x2800, $0x38;
	[tilespmem:$0x18900] =	vst v63  }
0x7a: {  	_ =	swait.ge [sflag:s26], $0x2800  }
0x7b: {  	[sflag:s26] =	ssyncset.done $0x0  }
0x7c: {  	[sflag:s26] =	ssyncadd.s32 $0xFFFFD800  }
0x7d: {  	[hbm4b:s15+s4] =	stream.linear.scatter [tilespmem:s25], [sflag:$0x1], $0x2800, $0x38;
	[tilespmem:$0x18900] =	vst v63  }
0x7e: {  	_ =	swait.ge [sflag:s26], $0x2800  }
0x7f: {  	[sflag:s26] =	ssyncset.done $0x0  }
0x80: {  	[sflag:s26] =	ssyncadd.s32 $0xFFFFD800  }
0x81: {  	[tilespmem:s25], [sflag:$0x1] =	stream.linear.gather [spmem:s11], $0x2800, $0x38;
	[tilespmem:$0x18900] =	vst v63  }
0x82: {  	_ =	swait.ge [sflag:s26], $0x2800  }
0x83: {  	[sflag:s26] =	ssyncset.done $0x0  }
0x84: {  	[sflag:s26] =	ssyncadd.s32 $0xFFFFD800  }
0x85: {  	[hbm4b:s16+s4] =	stream.linear.scatter [tilespmem:s25], [sflag:$0x1], $0x2800, $0x38;
	[tilespmem:$0x18900] =	vst v63  }
0x86: {  	_ =	swait.ge [sflag:s26], $0x2800  }
0x87: {  	[sflag:s26] =	ssyncset.done $0x0  }
0x88: {  	[sflag:s26] =	ssyncadd.s32 $0xFFFFD800  }
0x89: {  	[tilespmem:s25], [sflag:$0x1] =	stream.linear.gather [spmem:s20], $0x2800, $0x38;
	[tilespmem:$0x18900] =	vst v63  }
0x8a: {  	_ =	swait.ge [sflag:s26], $0x2800  }
0x8b: {  	[sflag:s26] =	ssyncset.done $0x0  }
0x8c: {  	[sflag:s26] =	ssyncadd.s32 $0xFFFFD800  }
0x8d: {  	[hbm4b:s17+s4] =	stream.linear.scatter [tilespmem:s25], [sflag:$0x1], $0x2800, $0x38;
	[tilespmem:$0x18900] =	vst v63  }
0x8e: {  	_ =	swait.ge [sflag:s26], $0x2800  }
0x8f: {  	[sflag:s26] =	ssyncset.done $0x0  }
0x90: {  	[sflag:s26] =	ssyncadd.s32 $0xFFFFD800  }
0x91: {  	[tilespmem:s25], [sflag:$0x1] =	stream.linear.gather [spmem:s21], $0x2800, $0x38;
	[tilespmem:$0x18900] =	vst v63  }
0x92: {  	_ =	swait.ge [sflag:s26], $0x2800  }
0x93: {  	[sflag:s26] =	ssyncset.done $0x0  }
0x94: {  	[sflag:s26] =	ssyncadd.s32 $0xFFFFD800  }
0x95: {  	[hbm4b:s18+s4] =	stream.linear.scatter [tilespmem:s25], [sflag:$0x1], $0x2800, $0x38;
	[tilespmem:$0x18900] =	vst v63  }
0x96: {  	_ =	swait.ge [sflag:s26], $0x2800  }
0x97: {  	[sflag:s26] =	ssyncset.done $0x0  }
0x98: {  	[sflag:s26] =	ssyncadd.s32 $0xFFFFD800  }
0x99: {  	[tilespmem:s25], [sflag:$0x1] =	stream.linear.gather [spmem:s22], $0x2800, $0x38;
	[tilespmem:$0x18900] =	vst v63  }
0x9a: {  	s31 =	sadd.s32 $0x1, s31;
	_ =	swait.ge [sflag:s26], $0x2800  }
0x9b: {  	p0 =	sne.s32 s31, s23;
	[sflag:s26] =	ssyncset.done $0x0  }
.Ltmp1:
0x9c: {  	[sflag:s26] =	ssyncadd.s32 $0xFFFFD800;
	(pc) =	sbr.rel @p0 .LBB2_1-.Ltmp1, $4  }
0x9d: {  	[hbm4b:s19+s4] =	stream.linear.scatter [tilespmem:s25], [sflag:$0x1], $0x2800, $0x38;
	[tilespmem:$0x18900] =	vst v63  }
0x9e: {  	_ =	swait.ge [sflag:s26], $0x2800  }
0x9f: {  	[sflag:s26] =	ssyncset.done $0x0  }
0xa0: {  	[sflag:s26] =	ssyncadd.s32 $0xFFFFD800  }
0xa1: {  	_ =	sfence.sel $0x180000  }
0xa2: {  	[bflag:$0x0] =	sbarrier.arrive $0xFFFF  }
0xa3: {  	_ =	strace $0x9000004A  }
0xa4: {  	s0 =	stileid.u32;
	[bflag:$0x2] =	sbarrier.arrive $0xFFFF  }
0xa5: {  	p0 =	sne.s32 s0, $0x0;
	s0 =	rddreg [dreg:$0x3]  }
0xa6: {  	s0 =	sadd.s32 @!p0 $0x100000, s0  }
0xa7: {  	[sflag:s0] =	ssyncadd.tile.s32 @!p0 $0x1;
	_ =	shalt  }
.Lfunc_end2:
_tile_overlayer_lowered:
.L_overlay_start_2:
0xa8: {  	(tag) =	ssettag $0x2  }
0xa9: {  	s0 =	rddreg [dreg:$0x0];
	s2 =	stileid.u32  }
0xaa: {  	s1 =	rddreg [dreg:$0x1];
	p0 =	sne.s32 s2, $0x0  }
0xab: {  	s3 =	rddreg [dreg:$0x2];
	[bflag:$0x3] =	sbarrier.arrive $0xFFFF;
	s2 =	simm.s32 @!p0 $0x1C01  }
0xac: {  	[timem:s3], [sflag:s2] =	dma.local @!p0 [hbm:s0], s1  }
0xad: {  	s0 =	simm.s32 @!p0 $0x1  }
0xae: {  	_ =	swait.ge @!p0 [sflag:s0], s1  }
0xaf: {  	s1 =	ssub.s32 @!p0 $0x0, s1;
	[sflag:s0] =	ssyncset.done @!p0 $0x0  }
0xb0: {  	[sflag:s0] =	ssyncadd.s32 @!p0 s1  }
0xb1: {  	[bflag:$0x3] =	sbarrier.arrive $0xFFFF  }
0xb2: {  	_ =	shalt  }

</sc_bundles>
